<compile_context>
chip_gen: v7x
topology: tpu7x:2x2x1
jax: 0.10.2.dev20260603
libtpu: 0.0.44.dev20260713+nightly
codegen_flags: <defaults>
</compile_context>

<pallas_src>
import functools

import jax
import jax.numpy as jnp
from jax import lax
from jax.experimental import pallas as pl
from jax.experimental.pallas import tpu as pltpu
from jax.experimental.pallas import tpu_sc as plsc

N_NODES = 10000
N_EDGES = 320000
DIM = 128
OUT_DIM = 10

NC = 2
NS = 16
NW = NC * NS
K = 128
NCHUNK = -(-N_EDGES // (NW * K))
NCHUNK += NCHUNK % 2
E_PAD = NW * K * NCHUNK
N_PAD = 10240
RPT = N_PAD // NS


def _agg_body(y_hbm, ei_hbm, zero_hbm, out_hbm, acc,
              idx0, idx1, rows0, rows1, gsem0, gsem1, ssem0, ssem1):
    c = lax.axis_index("c")
    s = lax.axis_index("s")
    wid = c * NS + s
    idx = (idx0, idx1)
    rows = (rows0, rows1)
    gsem = (gsem0, gsem1)
    ssem = (ssem0, ssem1)

    pltpu.sync_copy(zero_hbm.at[pl.ds(s * RPT, RPT)],
                    acc.at[pl.ds(s * RPT, RPT)])
    plsc.subcore_barrier()

    def fetch(i, b):
        pltpu.sync_copy(ei_hbm.at[wid, i], idx[b])
        pltpu.async_copy(y_hbm.at[idx[b].at[0]], rows[b], gsem[b])

    def scat(i, b):
        pltpu.make_async_copy(y_hbm.at[idx[b].at[0]], rows[b], gsem[b]).wait()
        pltpu.async_copy(rows[b], acc.at[idx[b].at[1]], ssem[b], add=True)

    def wait_scat(b):
        pltpu.make_async_copy(rows[b], acc.at[idx[b].at[1]], ssem[b]).wait()

    fetch(0, 0)

    def body(j, carry):
        for b in range(2):
            i = 2 * j + b
            if b == 0:
                @pl.when(j > 0)
                def _():
                    wait_scat(1)

                fetch(i + 1, 1)
            else:
                wait_scat(0)

                @pl.when(j < NCHUNK // 2 - 1)
                def _():
                    fetch(i + 1, 0)
            scat(i, b)
        return carry

    lax.fori_loop(0, NCHUNK // 2, body, 0)
    wait_scat(1)

    plsc.subcore_barrier()
    pltpu.sync_copy(acc.at[pl.ds(s * RPT, RPT)],
                    out_hbm.at[c, pl.ds(s * RPT, RPT)])


_agg = pl.kernel(
    _agg_body,
    out_type=jax.ShapeDtypeStruct((NC, N_PAD, DIM), jnp.float32),
    mesh=plsc.VectorSubcoreMesh(core_axis_name="c", subcore_axis_name="s",
                                num_cores=NC, num_subcores=NS),
    scratch_types=[
        pltpu.VMEM_SHARED((N_PAD, DIM), jnp.float32),
        pltpu.VMEM((2, K), jnp.int32),
        pltpu.VMEM((2, K), jnp.int32),
        pltpu.VMEM((K, DIM), jnp.float32),
        pltpu.VMEM((K, DIM), jnp.float32),
        pltpu.SemaphoreType.DMA,
        pltpu.SemaphoreType.DMA,
        pltpu.SemaphoreType.DMA,
        pltpu.SemaphoreType.DMA,
    ],
)


def _mm_body(x_ref, w_ref, o_ref):
    o_ref[...] = jnp.dot(x_ref[...], w_ref[...],
                         preferred_element_type=jnp.float32)


def _fuse_body(p_ref, b_ref, w_ref, o_ref):
    h = p_ref[0, :N_NODES, :] + p_ref[1, :N_NODES, :] + b_ref[...]
    h = jnp.where(h > 0.0, h, jnp.exp(h) - 1.0)
    o_ref[...] = jnp.dot(h, w_ref[...], preferred_element_type=jnp.float32)


def _head_body(p_ref, b_ref, wc_ref, bc_ref, o_ref):
    h = p_ref[0, :N_NODES, :] + p_ref[1, :N_NODES, :] + b_ref[...]
    h = jnp.where(h > 0.0, h, jnp.exp(h) - 1.0)
    hg = jnp.sum(h, axis=0, keepdims=True) * (1.0 / N_NODES)
    o_ref[...] = (jnp.dot(hg, wc_ref[...], preferred_element_type=jnp.float32)
                  + bc_ref[...])


def _mm(x, w):
    return pl.pallas_call(
        _mm_body,
        out_shape=jax.ShapeDtypeStruct((x.shape[0], DIM), jnp.float32),
    )(x, w)


def _fuse(parts, b, w):
    return pl.pallas_call(
        _fuse_body,
        out_shape=jax.ShapeDtypeStruct((N_NODES, DIM), jnp.float32),
    )(parts, b.reshape(1, DIM), w)


def _head(parts, b, wc_pad, bc_pad):
    return pl.pallas_call(
        _head_body,
        out_shape=jax.ShapeDtypeStruct((1, DIM), jnp.float32),
    )(parts, b.reshape(1, DIM), wc_pad, bc_pad)


def kernel(x, edge_index, W1, b1, W2, b2, W3, b3, Wc, bc):
    src = edge_index[0].astype(jnp.int32)
    dst = edge_index[1].astype(jnp.int32)
    pad = E_PAD - N_EDGES
    se = jnp.concatenate([src, jnp.zeros((pad,), jnp.int32)])
    de = jnp.concatenate([dst, jnp.full((pad,), N_NODES, jnp.int32)])
    ei = jnp.stack([se.reshape(NW, NCHUNK, K),
                    de.reshape(NW, NCHUNK, K)], axis=2)
    zero = jnp.zeros((N_PAD, DIM), jnp.float32)
    wc_pad = jnp.pad(Wc, ((0, 0), (0, DIM - OUT_DIM)))
    bc_pad = jnp.pad(bc, (0, DIM - OUT_DIM)).reshape(1, DIM)

    y = _mm(x, W1)
    p = _agg(y, ei, zero)
    y = _fuse(p, b1, W2)
    p = _agg(y, ei, zero)
    y = _fuse(p, b2, W3)
    p = _agg(y, ei, zero)
    out = _head(p, b3, wc_pad, bc_pad)
    return out[:, :OUT_DIM]

# --- scband reference (transcript-rebuilt; emitter-appended) ---
"""Pipeline reference for scband-gcnclassifier-56727928045765 (READ-ONLY COPY).

The authoritative reference and input builder live on the scoring server;
editing this copy changes nothing except your own understanding.
"""

import jax, jax.numpy as jnp
import numpy as np

N_NODES = 10000
N_EDGES = 320000
IN_DIM = 128
HIDDEN_DIM = 128
OUT_DIM = 10


def setup_inputs(seed: int = 0) -> dict:
    key = jax.random.key(seed)
    ks = jax.random.split(key, 12)
    x = jax.random.normal(ks[0], (N_NODES, IN_DIM), dtype=jnp.float32)
    edge_index = jax.random.randint(ks[1], (2, N_EDGES), 0, N_NODES, dtype=jnp.int64)
    def glorot(k, shape):
        fan_in, fan_out = shape[0], shape[1]
        lim = np.sqrt(6.0 / (fan_in + fan_out))
        return jax.random.uniform(k, shape, dtype=jnp.float32, minval=-lim, maxval=lim)
    W1 = glorot(ks[2], (IN_DIM, HIDDEN_DIM)); b1 = jnp.zeros((HIDDEN_DIM,), jnp.float32)
    W2 = glorot(ks[3], (HIDDEN_DIM, HIDDEN_DIM)); b2 = jnp.zeros((HIDDEN_DIM,), jnp.float32)
    W3 = glorot(ks[4], (HIDDEN_DIM, HIDDEN_DIM)); b3 = jnp.zeros((HIDDEN_DIM,), jnp.float32)
    Wc = glorot(ks[5], (HIDDEN_DIM, OUT_DIM)); bc = jnp.zeros((OUT_DIM,), jnp.float32)
    return {"x": x, "edge_index": edge_index, "W1": W1, "b1": b1, "W2": W2, "b2": b2, "W3": W3, "b3": b3, "Wc": Wc, "bc": bc}


def _gcn_layer(h, src, dst, W, b):
    # DGL-style GCN: msg = copy_src, reduce = sum (scatter-add), then linear + elu
    msgs = h[src]  # gather [E, d]
    agg = jax.ops.segment_sum(msgs, dst, num_segments=N_NODES)  # scatter-add [N, d]
    return jax.nn.elu(agg @ W + b)


def reference(x, edge_index, W1, b1, W2, b2, W3, b3, Wc, bc):
    src = edge_index[0]
    dst = edge_index[1]
    h = _gcn_layer(x, src, dst, W1, b1)
    h = _gcn_layer(h, src, dst, W2, b2)
    h = _gcn_layer(h, src, dst, W3, b3)
    # dgl.mean_nodes over a single graph -> mean over all nodes
    hg = jnp.mean(h, axis=0, keepdims=True)  # [1, hidden]
    return hg @ Wc + bc  # [1, outdim]

if __name__ == "__main__":
    import jax
    _d = setup_inputs()
    print(jax.jit(kernel)(*tuple(_d.values())))

</pallas_src>

<mosaic_0001>
#map = affine_map<(d0, d1) -> (0, 0)>
#map1 = affine_map<(d0, d1) -> (0, 0, 0, 0)>
#map2 = affine_map<(d0, d1) -> (0, 0, 0)>
module attributes {stable_mosaic.version = 14 : i64} {
  func.func @_agg_body(%arg0: i32, %arg1: i32, %arg2: memref<10000x128xf32, #tpu.memory_space<hbm>>, %arg3: memref<32x80x2x128xi32, #tpu.memory_space<hbm>>, %arg4: memref<10240x128xf32, #tpu.memory_space<hbm>>, %arg5: memref<2x10240x128xf32, #tpu.memory_space<hbm>>, %arg6: memref<10240x128xf32, #tpu.memory_space<vmem_shared>>, %arg7: memref<2x128xi32, #tpu.memory_space<vmem>>, %arg8: memref<2x128xi32, #tpu.memory_space<vmem>>, %arg9: memref<128x128xf32, #tpu.memory_space<vmem>>, %arg10: memref<128x128xf32, #tpu.memory_space<vmem>>, %arg11: memref<!tpu.dma_semaphore, #tpu.memory_space<semaphore_mem>>, %arg12: memref<!tpu.dma_semaphore, #tpu.memory_space<semaphore_mem>>, %arg13: memref<!tpu.dma_semaphore, #tpu.memory_space<semaphore_mem>>, %arg14: memref<!tpu.dma_semaphore, #tpu.memory_space<semaphore_mem>>) attributes {dimension_semantics = [#tpu.dimension_semantics<core_parallel>, #tpu.dimension_semantics<subcore_parallel>], iteration_bounds = array<i64: 2, 16>, scalar_prefetch = 0 : i64, scratch_operands = 9 : i64, tpu.core_type = #tpu.core_type<sc_vector_subcore>, window_params = [{transform_indices = #map}, {transform_indices = #map1}, {transform_indices = #map}, {transform_indices = #map2}]} {
    %mul3A = arith.constant 16 : i32
    %mul3A_0 = arith.muli %arg0, %mul3A : i32
    %add3A = arith.addi %mul3A_0, %arg1 : i32
    %mul3A_1 = arith.constant 640 : i32
    %mul3A_2 = arith.muli %arg1, %mul3A_1 : i32
    %mul3A_3 = arith.constant 640 : i32
    %mul3A_4 = arith.muli %arg1, %mul3A_3 : i32
    "tpu.region"() ({
      %run_scoped3A_27 = tpu.sem_alloc : memref<!tpu.dma_semaphore, #tpu.memory_space<semaphore_mem>>
      %dma_start3A_28 = arith.constant 0 : i32
      %dma_start3A_29 = tpu.memref_slice %arg6[%mul3A_4, %dma_start3A_28] : memref<10240x128xf32, #tpu.memory_space<vmem_shared>> -> memref<640x128xf32, #tpu.memory_space<vmem_shared>>
      %dma_start3A_30 = arith.constant 0 : i32
      %dma_start3A_31 = tpu.memref_slice %arg4[%mul3A_2, %dma_start3A_30] : memref<10240x128xf32, #tpu.memory_space<hbm>> -> memref<640x128xf32, #tpu.memory_space<hbm>>
      tpu.enqueue_dma source(%dma_start3A_31 : memref<640x128xf32, #tpu.memory_space<hbm>>) target(%dma_start3A_29 : memref<640x128xf32, #tpu.memory_space<vmem_shared>>) target_semaphore(%run_scoped3A_27 : memref<!tpu.dma_semaphore, #tpu.memory_space<semaphore_mem>>)
      %dma_wait3A_32 = arith.constant 0 : i32
      %dma_wait3A_33 = tpu.memref_slice %arg6[%mul3A_4, %dma_wait3A_32] : memref<10240x128xf32, #tpu.memory_space<vmem_shared>> -> memref<640x128xf32, #tpu.memory_space<vmem_shared>>
      %dma_wait3A_34 = arith.constant 0 : i32
      %dma_wait3A_35 = tpu.memref_slice %arg4[%mul3A_2, %dma_wait3A_34] : memref<10240x128xf32, #tpu.memory_space<hbm>> -> memref<640x128xf32, #tpu.memory_space<hbm>>
      tpu.wait_dma2 semaphore(%run_scoped3A_27 : memref<!tpu.dma_semaphore, #tpu.memory_space<semaphore_mem>>) src(%dma_wait3A_35 : memref<640x128xf32, #tpu.memory_space<hbm>>) dst(%dma_wait3A_33 : memref<640x128xf32, #tpu.memory_space<vmem_shared>>)
      tpu.yield
    }) : () -> ()
    %barrier3A = arith.constant 0 : index
    tpu.barrier barrier_id(%barrier3A)
    %run_scoped3A = arith.constant 0 : i32
    "tpu.region"() ({
      %run_scoped3A_27 = tpu.sem_alloc : memref<!tpu.dma_semaphore, #tpu.memory_space<semaphore_mem>>
      %dma_start3A_28 = arith.constant 0 : i32
      %dma_start3A_29 = arith.constant 0 : i32
      %dma_start3A_30 = tpu.memref_slice %arg3[%add3A, %run_scoped3A, %dma_start3A_28, %dma_start3A_29] : memref<32x80x2x128xi32, #tpu.memory_space<hbm>> -> memref<1x1x2x128xi32, #tpu.memory_space<hbm>>
      %dma_start3A_31 = tpu.memref_squeeze %dma_start3A_30 : memref<1x1x2x128xi32, #tpu.memory_space<hbm>> -> memref<2x128xi32, #tpu.memory_space<hbm>>
      %dma_start3A_32 = arith.constant 0 : i32
      %dma_start3A_33 = arith.constant 0 : i32
      %dma_start3A_34 = tpu.memref_slice %arg3[%add3A, %run_scoped3A, %dma_start3A_32, %dma_start3A_33] : memref<32x80x2x128xi32, #tpu.memory_space<hbm>> -> memref<1x1x2x128xi32, #tpu.memory_space<hbm>>
      %dma_start3A_35 = tpu.memref_squeeze %dma_start3A_34 : memref<1x1x2x128xi32, #tpu.memory_space<hbm>> -> memref<2x128xi32, #tpu.memory_space<hbm>>
      tpu.enqueue_dma source(%dma_start3A_35 : memref<2x128xi32, #tpu.memory_space<hbm>>) target(%arg7 : memref<2x128xi32, #tpu.memory_space<vmem>>) target_semaphore(%run_scoped3A_27 : memref<!tpu.dma_semaphore, #tpu.memory_space<semaphore_mem>>)
      %dma_wait3A_36 = arith.constant 0 : i32
      %dma_wait3A_37 = arith.constant 0 : i32
      %dma_wait3A_38 = tpu.memref_slice %arg3[%add3A, %run_scoped3A, %dma_wait3A_36, %dma_wait3A_37] : memref<32x80x2x128xi32, #tpu.memory_space<hbm>> -> memref<1x1x2x128xi32, #tpu.memory_space<hbm>>
      %dma_wait3A_39 = tpu.memref_squeeze %dma_wait3A_38 : memref<1x1x2x128xi32, #tpu.memory_space<hbm>> -> memref<2x128xi32, #tpu.memory_space<hbm>>
      %dma_wait3A_40 = arith.constant 0 : i32
      %dma_wait3A_41 = arith.constant 0 : i32
      %dma_wait3A_42 = tpu.memref_slice %arg3[%add3A, %run_scoped3A, %dma_wait3A_40, %dma_wait3A_41] : memref<32x80x2x128xi32, #tpu.memory_space<hbm>> -> memref<1x1x2x128xi32, #tpu.memory_space<hbm>>
      %dma_wait3A_43 = tpu.memref_squeeze %dma_wait3A_42 : memref<1x1x2x128xi32, #tpu.memory_space<hbm>> -> memref<2x128xi32, #tpu.memory_space<hbm>>
      tpu.wait_dma2 semaphore(%run_scoped3A_27 : memref<!tpu.dma_semaphore, #tpu.memory_space<semaphore_mem>>) src(%dma_wait3A_43 : memref<2x128xi32, #tpu.memory_space<hbm>>) dst(%arg7 : memref<2x128xi32, #tpu.memory_space<vmem>>)
      tpu.yield
    }) : () -> ()
    %dma_start3A = arith.constant 0 : i32
    %dma_start3A_5 = arith.constant 0 : i32
    %dma_start3A_6 = tpu.memref_slice %arg7[%dma_start3A, %dma_start3A_5] : memref<2x128xi32, #tpu.memory_space<vmem>> -> memref<1x128xi32, #tpu.memory_space<vmem>>
    %dma_start3A_7 = tpu.memref_squeeze %dma_start3A_6 : memref<1x128xi32, #tpu.memory_space<vmem>> -> memref<128xi32, #tpu.memory_space<vmem>>
    %dma_start3A_8 = arith.constant 0 : i32
    %dma_start3A_9 = arith.constant 0 : i32
    %dma_start3A_10 = tpu.memref_slice %arg2[%dma_start3A_8, %dma_start3A_9] : memref<10000x128xf32, #tpu.memory_space<hbm>> -> memref<10000x128xf32, #tpu.memory_space<hbm>>
    tpu.enqueue_indirect_dma source(%dma_start3A_10 : memref<10000x128xf32, #tpu.memory_space<hbm>>) target(%arg9 : memref<128x128xf32, #tpu.memory_space<vmem>>) offsets(%dma_start3A_7 : memref<128xi32, #tpu.memory_space<vmem>>) semaphore(%arg11 : memref<!tpu.dma_semaphore, #tpu.memory_space<semaphore_mem>>)
    %scan3A = arith.constant 0 : i32
    %scan3A_11 = arith.constant 0 : i32
    %scan3A_12 = arith.constant 40 : i32
    %scan3A_13 = arith.addi %scan3A_11, %scan3A_12 : i32
    %scan3A_14 = arith.constant 1 : i32
    scf.for %scan3A_27 = %scan3A_11 to %scan3A_13 step %scan3A_14  : i32 {
      %mul3A_28 = arith.constant 2 : i32
      %mul3A_29 = arith.muli %mul3A_28, %scan3A_27 : i32
      %add3A_30 = arith.constant 0 : i32
      %add3A_31 = arith.addi %mul3A_29, %add3A_30 : i32
      %gt3A = arith.constant 0 : i32
      %gt3A_32 = arith.cmpi sgt, %scan3A_27, %gt3A : i32
      %convert_element_type3A = arith.extui %gt3A_32 : i1 to i32
      %cond3A = arith.constant 0 : i32
      %cond3A_33 = arith.cmpi ne, %convert_element_type3A, %cond3A : i32
      scf.if %cond3A_33 {
        %dma_wait3A_86 = arith.constant 1 : i32
        %dma_wait3A_87 = arith.constant 0 : i32
        %dma_wait3A_88 = tpu.memref_slice %arg8[%dma_wait3A_86, %dma_wait3A_87] : memref<2x128xi32, #tpu.memory_space<vmem>> -> memref<1x128xi32, #tpu.memory_space<vmem>>
        %dma_wait3A_89 = tpu.memref_squeeze %dma_wait3A_88 : memref<1x128xi32, #tpu.memory_space<vmem>> -> memref<128xi32, #tpu.memory_space<vmem>>
        %dma_wait3A_90 = arith.constant 0 : i32
        %dma_wait3A_91 = arith.constant 0 : i32
        %dma_wait3A_92 = tpu.memref_slice %arg6[%dma_wait3A_90, %dma_wait3A_91] : memref<10240x128xf32, #tpu.memory_space<vmem_shared>> -> memref<10240x128xf32, #tpu.memory_space<vmem_shared>>
        tpu.wait_indirect_dma semaphore(%arg14 : memref<!tpu.dma_semaphore, #tpu.memory_space<semaphore_mem>>) src(%arg10 : memref<128x128xf32, #tpu.memory_space<vmem>>) dst(%dma_wait3A_92 : memref<10240x128xf32, #tpu.memory_space<vmem_shared>>)
      } else {
      }
      %add3A_34 = arith.constant 1 : i32
      %add3A_35 = arith.addi %add3A_31, %add3A_34 : i32
      "tpu.region"() ({
        %run_scoped3A_86 = tpu.sem_alloc : memref<!tpu.dma_semaphore, #tpu.memory_space<semaphore_mem>>
        %dma_start3A_87 = arith.constant 0 : i32
        %dma_start3A_88 = arith.constant 0 : i32
        %dma_start3A_89 = tpu.memref_slice %arg3[%add3A, %add3A_35, %dma_start3A_87, %dma_start3A_88] : memref<32x80x2x128xi32, #tpu.memory_space<hbm>> -> memref<1x1x2x128xi32, #tpu.memory_space<hbm>>
        %dma_start3A_90 = tpu.memref_squeeze %dma_start3A_89 : memref<1x1x2x128xi32, #tpu.memory_space<hbm>> -> memref<2x128xi32, #tpu.memory_space<hbm>>
        %dma_start3A_91 = arith.constant 0 : i32
        %dma_start3A_92 = arith.constant 0 : i32
        %dma_start3A_93 = tpu.memref_slice %arg3[%add3A, %add3A_35, %dma_start3A_91, %dma_start3A_92] : memref<32x80x2x128xi32, #tpu.memory_space<hbm>> -> memref<1x1x2x128xi32, #tpu.memory_space<hbm>>
        %dma_start3A_94 = tpu.memref_squeeze %dma_start3A_93 : memref<1x1x2x128xi32, #tpu.memory_space<hbm>> -> memref<2x128xi32, #tpu.memory_space<hbm>>
        tpu.enqueue_dma source(%dma_start3A_94 : memref<2x128xi32, #tpu.memory_space<hbm>>) target(%arg8 : memref<2x128xi32, #tpu.memory_space<vmem>>) target_semaphore(%run_scoped3A_86 : memref<!tpu.dma_semaphore, #tpu.memory_space<semaphore_mem>>)
        %dma_wait3A_95 = arith.constant 0 : i32
        %dma_wait3A_96 = arith.constant 0 : i32
        %dma_wait3A_97 = tpu.memref_slice %arg3[%add3A, %add3A_35, %dma_wait3A_95, %dma_wait3A_96] : memref<32x80x2x128xi32, #tpu.memory_space<hbm>> -> memref<1x1x2x128xi32, #tpu.memory_space<hbm>>
        %dma_wait3A_98 = tpu.memref_squeeze %dma_wait3A_97 : memref<1x1x2x128xi32, #tpu.memory_space<hbm>> -> memref<2x128xi32, #tpu.memory_space<hbm>>
        %dma_wait3A_99 = arith.constant 0 : i32
        %dma_wait3A_100 = arith.constant 0 : i32
        %dma_wait3A_101 = tpu.memref_slice %arg3[%add3A, %add3A_35, %dma_wait3A_99, %dma_wait3A_100] : memref<32x80x2x128xi32, #tpu.memory_space<hbm>> -> memref<1x1x2x128xi32, #tpu.memory_space<hbm>>
        %dma_wait3A_102 = tpu.memref_squeeze %dma_wait3A_101 : memref<1x1x2x128xi32, #tpu.memory_space<hbm>> -> memref<2x128xi32, #tpu.memory_space<hbm>>
        tpu.wait_dma2 semaphore(%run_scoped3A_86 : memref<!tpu.dma_semaphore, #tpu.memory_space<semaphore_mem>>) src(%dma_wait3A_102 : memref<2x128xi32, #tpu.memory_space<hbm>>) dst(%arg8 : memref<2x128xi32, #tpu.memory_space<vmem>>)
        tpu.yield
      }) : () -> ()
      %dma_start3A_36 = arith.constant 0 : i32
      %dma_start3A_37 = arith.constant 0 : i32
      %dma_start3A_38 = tpu.memref_slice %arg8[%dma_start3A_36, %dma_start3A_37] : memref<2x128xi32, #tpu.memory_space<vmem>> -> memref<1x128xi32, #tpu.memory_space<vmem>>
      %dma_start3A_39 = tpu.memref_squeeze %dma_start3A_38 : memref<1x128xi32, #tpu.memory_space<vmem>> -> memref<128xi32, #tpu.memory_space<vmem>>
      %dma_start3A_40 = arith.constant 0 : i32
      %dma_start3A_41 = arith.constant 0 : i32
      %dma_start3A_42 = tpu.memref_slice %arg2[%dma_start3A_40, %dma_start3A_41] : memref<10000x128xf32, #tpu.memory_space<hbm>> -> memref<10000x128xf32, #tpu.memory_space<hbm>>
      tpu.enqueue_indirect_dma source(%dma_start3A_42 : memref<10000x128xf32, #tpu.memory_space<hbm>>) target(%arg10 : memref<128x128xf32, #tpu.memory_space<vmem>>) offsets(%dma_start3A_39 : memref<128xi32, #tpu.memory_space<vmem>>) semaphore(%arg12 : memref<!tpu.dma_semaphore, #tpu.memory_space<semaphore_mem>>)
      %dma_wait3A_43 = arith.constant 0 : i32
      %dma_wait3A_44 = arith.constant 0 : i32
      %dma_wait3A_45 = tpu.memref_slice %arg7[%dma_wait3A_43, %dma_wait3A_44] : memref<2x128xi32, #tpu.memory_space<vmem>> -> memref<1x128xi32, #tpu.memory_space<vmem>>
      %dma_wait3A_46 = tpu.memref_squeeze %dma_wait3A_45 : memref<1x128xi32, #tpu.memory_space<vmem>> -> memref<128xi32, #tpu.memory_space<vmem>>
      %dma_wait3A_47 = arith.constant 0 : i32
      %dma_wait3A_48 = arith.constant 0 : i32
      %dma_wait3A_49 = tpu.memref_slice %arg2[%dma_wait3A_47, %dma_wait3A_48] : memref<10000x128xf32, #tpu.memory_space<hbm>> -> memref<10000x128xf32, #tpu.memory_space<hbm>>
      tpu.wait_indirect_dma semaphore(%arg11 : memref<!tpu.dma_semaphore, #tpu.memory_space<semaphore_mem>>) src(%dma_wait3A_49 : memref<10000x128xf32, #tpu.memory_space<hbm>>) dst(%arg9 : memref<128x128xf32, #tpu.memory_space<vmem>>)
      %dma_start3A_50 = arith.constant 1 : i32
      %dma_start3A_51 = arith.constant 0 : i32
      %dma_start3A_52 = tpu.memref_slice %arg7[%dma_start3A_50, %dma_start3A_51] : memref<2x128xi32, #tpu.memory_space<vmem>> -> memref<1x128xi32, #tpu.memory_space<vmem>>
      %dma_start3A_53 = tpu.memref_squeeze %dma_start3A_52 : memref<1x128xi32, #tpu.memory_space<vmem>> -> memref<128xi32, #tpu.memory_space<vmem>>
      %dma_start3A_54 = arith.constant 0 : i32
      %dma_start3A_55 = arith.constant 0 : i32
      %dma_start3A_56 = tpu.memref_slice %arg6[%dma_start3A_54, %dma_start3A_55] : memref<10240x128xf32, #tpu.memory_space<vmem_shared>> -> memref<10240x128xf32, #tpu.memory_space<vmem_shared>>
      tpu.enqueue_indirect_dma source(%arg9 : memref<128x128xf32, #tpu.memory_space<vmem>>) target(%dma_start3A_56 : memref<10240x128xf32, #tpu.memory_space<vmem_shared>>) offsets(%dma_start3A_53 : memref<128xi32, #tpu.memory_space<vmem>>) semaphore(%arg13 : memref<!tpu.dma_semaphore, #tpu.memory_space<semaphore_mem>>) {add = true}
      %mul3A_57 = arith.constant 2 : i32
      %mul3A_58 = arith.muli %mul3A_57, %scan3A_27 : i32
      %add3A_59 = arith.constant 1 : i32
      %add3A_60 = arith.addi %mul3A_58, %add3A_59 : i32
      %dma_wait3A_61 = arith.constant 1 : i32
      %dma_wait3A_62 = arith.constant 0 : i32
      %dma_wait3A_63 = tpu.memref_slice %arg7[%dma_wait3A_61, %dma_wait3A_62] : memref<2x128xi32, #tpu.memory_space<vmem>> -> memref<1x128xi32, #tpu.memory_space<vmem>>
      %dma_wait3A_64 = tpu.memref_squeeze %dma_wait3A_63 : memref<1x128xi32, #tpu.memory_space<vmem>> -> memref<128xi32, #tpu.memory_space<vmem>>
      %dma_wait3A_65 = arith.constant 0 : i32
      %dma_wait3A_66 = arith.constant 0 : i32
      %dma_wait3A_67 = tpu.memref_slice %arg6[%dma_wait3A_65, %dma_wait3A_66] : memref<10240x128xf32, #tpu.memory_space<vmem_shared>> -> memref<10240x128xf32, #tpu.memory_space<vmem_shared>>
      tpu.wait_indirect_dma semaphore(%arg13 : memref<!tpu.dma_semaphore, #tpu.memory_space<semaphore_mem>>) src(%arg9 : memref<128x128xf32, #tpu.memory_space<vmem>>) dst(%dma_wait3A_67 : memref<10240x128xf32, #tpu.memory_space<vmem_shared>>)
      %lt3A = arith.constant 39 : i32
      %lt3A_68 = arith.cmpi slt, %scan3A_27, %lt3A : i32
      %convert_element_type3A_69 = arith.extui %lt3A_68 : i1 to i32
      %cond3A_70 = arith.constant 0 : i32
      %cond3A_71 = arith.cmpi ne, %convert_element_type3A_69, %cond3A_70 : i32
      scf.if %cond3A_71 {
        %add3A_86 = arith.constant 1 : i32
        %add3A_87 = arith.addi %add3A_60, %add3A_86 : i32
        "tpu.region"() ({
          %run_scoped3A_95 = tpu.sem_alloc : memref<!tpu.dma_semaphore, #tpu.memory_space<semaphore_mem>>
          %dma_start3A_96 = arith.constant 0 : i32
          %dma_start3A_97 = arith.constant 0 : i32
          %dma_start3A_98 = tpu.memref_slice %arg3[%add3A, %add3A_87, %dma_start3A_96, %dma_start3A_97] : memref<32x80x2x128xi32, #tpu.memory_space<hbm>> -> memref<1x1x2x128xi32, #tpu.memory_space<hbm>>
          %dma_start3A_99 = tpu.memref_squeeze %dma_start3A_98 : memref<1x1x2x128xi32, #tpu.memory_space<hbm>> -> memref<2x128xi32, #tpu.memory_space<hbm>>
          %dma_start3A_100 = arith.constant 0 : i32
          %dma_start3A_101 = arith.constant 0 : i32
          %dma_start3A_102 = tpu.memref_slice %arg3[%add3A, %add3A_87, %dma_start3A_100, %dma_start3A_101] : memref<32x80x2x128xi32, #tpu.memory_space<hbm>> -> memref<1x1x2x128xi32, #tpu.memory_space<hbm>>
          %dma_start3A_103 = tpu.memref_squeeze %dma_start3A_102 : memref<1x1x2x128xi32, #tpu.memory_space<hbm>> -> memref<2x128xi32, #tpu.memory_space<hbm>>
          tpu.enqueue_dma source(%dma_start3A_103 : memref<2x128xi32, #tpu.memory_space<hbm>>) target(%arg7 : memref<2x128xi32, #tpu.memory_space<vmem>>) target_semaphore(%run_scoped3A_95 : memref<!tpu.dma_semaphore, #tpu.memory_space<semaphore_mem>>)
          %dma_wait3A_104 = arith.constant 0 : i32
          %dma_wait3A_105 = arith.constant 0 : i32
          %dma_wait3A_106 = tpu.memref_slice %arg3[%add3A, %add3A_87, %dma_wait3A_104, %dma_wait3A_105] : memref<32x80x2x128xi32, #tpu.memory_space<hbm>> -> memref<1x1x2x128xi32, #tpu.memory_space<hbm>>
          %dma_wait3A_107 = tpu.memref_squeeze %dma_wait3A_106 : memref<1x1x2x128xi32, #tpu.memory_space<hbm>> -> memref<2x128xi32, #tpu.memory_space<hbm>>
          %dma_wait3A_108 = arith.constant 0 : i32
          %dma_wait3A_109 = arith.constant 0 : i32
          %dma_wait3A_110 = tpu.memref_slice %arg3[%add3A, %add3A_87, %dma_wait3A_108, %dma_wait3A_109] : memref<32x80x2x128xi32, #tpu.memory_space<hbm>> -> memref<1x1x2x128xi32, #tpu.memory_space<hbm>>
          %dma_wait3A_111 = tpu.memref_squeeze %dma_wait3A_110 : memref<1x1x2x128xi32, #tpu.memory_space<hbm>> -> memref<2x128xi32, #tpu.memory_space<hbm>>
          tpu.wait_dma2 semaphore(%run_scoped3A_95 : memref<!tpu.dma_semaphore, #tpu.memory_space<semaphore_mem>>) src(%dma_wait3A_111 : memref<2x128xi32, #tpu.memory_space<hbm>>) dst(%arg7 : memref<2x128xi32, #tpu.memory_space<vmem>>)
          tpu.yield
        }) : () -> ()
        %dma_start3A_88 = arith.constant 0 : i32
        %dma_start3A_89 = arith.constant 0 : i32
        %dma_start3A_90 = tpu.memref_slice %arg7[%dma_start3A_88, %dma_start3A_89] : memref<2x128xi32, #tpu.memory_space<vmem>> -> memref<1x128xi32, #tpu.memory_space<vmem>>
        %dma_start3A_91 = tpu.memref_squeeze %dma_start3A_90 : memref<1x128xi32, #tpu.memory_space<vmem>> -> memref<128xi32, #tpu.memory_space<vmem>>
        %dma_start3A_92 = arith.constant 0 : i32
        %dma_start3A_93 = arith.constant 0 : i32
        %dma_start3A_94 = tpu.memref_slice %arg2[%dma_start3A_92, %dma_start3A_93] : memref<10000x128xf32, #tpu.memory_space<hbm>> -> memref<10000x128xf32, #tpu.memory_space<hbm>>
        tpu.enqueue_indirect_dma source(%dma_start3A_94 : memref<10000x128xf32, #tpu.memory_space<hbm>>) target(%arg9 : memref<128x128xf32, #tpu.memory_space<vmem>>) offsets(%dma_start3A_91 : memref<128xi32, #tpu.memory_space<vmem>>) semaphore(%arg11 : memref<!tpu.dma_semaphore, #tpu.memory_space<semaphore_mem>>)
      } else {
      }
      %dma_wait3A_72 = arith.constant 0 : i32
      %dma_wait3A_73 = arith.constant 0 : i32
      %dma_wait3A_74 = tpu.memref_slice %arg8[%dma_wait3A_72, %dma_wait3A_73] : memref<2x128xi32, #tpu.memory_space<vmem>> -> memref<1x128xi32, #tpu.memory_space<vmem>>
      %dma_wait3A_75 = tpu.memref_squeeze %dma_wait3A_74 : memref<1x128xi32, #tpu.memory_space<vmem>> -> memref<128xi32, #tpu.memory_space<vmem>>
      %dma_wait3A_76 = arith.constant 0 : i32
      %dma_wait3A_77 = arith.constant 0 : i32
      %dma_wait3A_78 = tpu.memref_slice %arg2[%dma_wait3A_76, %dma_wait3A_77] : memref<10000x128xf32, #tpu.memory_space<hbm>> -> memref<10000x128xf32, #tpu.memory_space<hbm>>
      tpu.wait_indirect_dma semaphore(%arg12 : memref<!tpu.dma_semaphore, #tpu.memory_space<semaphore_mem>>) src(%dma_wait3A_78 : memref<10000x128xf32, #tpu.memory_space<hbm>>) dst(%arg10 : memref<128x128xf32, #tpu.memory_space<vmem>>)
      %dma_start3A_79 = arith.constant 1 : i32
      %dma_start3A_80 = arith.constant 0 : i32
      %dma_start3A_81 = tpu.memref_slice %arg8[%dma_start3A_79, %dma_start3A_80] : memref<2x128xi32, #tpu.memory_space<vmem>> -> memref<1x128xi32, #tpu.memory_space<vmem>>
      %dma_start3A_82 = tpu.memref_squeeze %dma_start3A_81 : memref<1x128xi32, #tpu.memory_space<vmem>> -> memref<128xi32, #tpu.memory_space<vmem>>
      %dma_start3A_83 = arith.constant 0 : i32
      %dma_start3A_84 = arith.constant 0 : i32
      %dma_start3A_85 = tpu.memref_slice %arg6[%dma_start3A_83, %dma_start3A_84] : memref<10240x128xf32, #tpu.memory_space<vmem_shared>> -> memref<10240x128xf32, #tpu.memory_space<vmem_shared>>
      tpu.enqueue_indirect_dma source(%arg10 : memref<128x128xf32, #tpu.memory_space<vmem>>) target(%dma_start3A_85 : memref<10240x128xf32, #tpu.memory_space<vmem_shared>>) offsets(%dma_start3A_82 : memref<128xi32, #tpu.memory_space<vmem>>) semaphore(%arg14 : memref<!tpu.dma_semaphore, #tpu.memory_space<semaphore_mem>>) {add = true}
    }
    %scan3A_15 = arith.constant 40 : i32
    %dma_wait3A = arith.constant 1 : i32
    %dma_wait3A_16 = arith.constant 0 : i32
    %dma_wait3A_17 = tpu.memref_slice %arg8[%dma_wait3A, %dma_wait3A_16] : memref<2x128xi32, #tpu.memory_space<vmem>> -> memref<1x128xi32, #tpu.memory_space<vmem>>
    %dma_wait3A_18 = tpu.memref_squeeze %dma_wait3A_17 : memref<1x128xi32, #tpu.memory_space<vmem>> -> memref<128xi32, #tpu.memory_space<vmem>>
    %dma_wait3A_19 = arith.constant 0 : i32
    %dma_wait3A_20 = arith.constant 0 : i32
    %dma_wait3A_21 = tpu.memref_slice %arg6[%dma_wait3A_19, %dma_wait3A_20] : memref<10240x128xf32, #tpu.memory_space<vmem_shared>> -> memref<10240x128xf32, #tpu.memory_space<vmem_shared>>
    tpu.wait_indirect_dma semaphore(%arg14 : memref<!tpu.dma_semaphore, #tpu.memory_space<semaphore_mem>>) src(%arg10 : memref<128x128xf32, #tpu.memory_space<vmem>>) dst(%dma_wait3A_21 : memref<10240x128xf32, #tpu.memory_space<vmem_shared>>)
    %barrier3A_22 = arith.constant 0 : index
    tpu.barrier barrier_id(%barrier3A_22)
    %mul3A_23 = arith.constant 640 : i32
    %mul3A_24 = arith.muli %arg1, %mul3A_23 : i32
    %mul3A_25 = arith.constant 640 : i32
    %mul3A_26 = arith.muli %arg1, %mul3A_25 : i32
    "tpu.region"() ({
      %run_scoped3A_27 = tpu.sem_alloc : memref<!tpu.dma_semaphore, #tpu.memory_space<semaphore_mem>>
      %dma_start3A_28 = arith.constant 0 : i32
      %dma_start3A_29 = tpu.memref_slice %arg5[%arg0, %mul3A_26, %dma_start3A_28] : memref<2x10240x128xf32, #tpu.memory_space<hbm>> -> memref<1x640x128xf32, #tpu.memory_space<hbm>>
      %dma_start3A_30 = tpu.memref_squeeze %dma_start3A_29 : memref<1x640x128xf32, #tpu.memory_space<hbm>> -> memref<640x128xf32, #tpu.memory_space<hbm>>
      %dma_start3A_31 = arith.constant 0 : i32
      %dma_start3A_32 = tpu.memref_slice %arg6[%mul3A_24, %dma_start3A_31] : memref<10240x128xf32, #tpu.memory_space<vmem_shared>> -> memref<640x128xf32, #tpu.memory_space<vmem_shared>>
      tpu.enqueue_dma source(%dma_start3A_32 : memref<640x128xf32, #tpu.memory_space<vmem_shared>>) target(%dma_start3A_30 : memref<640x128xf32, #tpu.memory_space<hbm>>) target_semaphore(%run_scoped3A_27 : memref<!tpu.dma_semaphore, #tpu.memory_space<semaphore_mem>>)
      %dma_wait3A_33 = arith.constant 0 : i32
      %dma_wait3A_34 = tpu.memref_slice %arg5[%arg0, %mul3A_26, %dma_wait3A_33] : memref<2x10240x128xf32, #tpu.memory_space<hbm>> -> memref<1x640x128xf32, #tpu.memory_space<hbm>>
      %dma_wait3A_35 = tpu.memref_squeeze %dma_wait3A_34 : memref<1x640x128xf32, #tpu.memory_space<hbm>> -> memref<640x128xf32, #tpu.memory_space<hbm>>
      %dma_wait3A_36 = arith.constant 0 : i32
      %dma_wait3A_37 = tpu.memref_slice %arg6[%mul3A_24, %dma_wait3A_36] : memref<10240x128xf32, #tpu.memory_space<vmem_shared>> -> memref<640x128xf32, #tpu.memory_space<vmem_shared>>
      tpu.wait_dma2 semaphore(%run_scoped3A_27 : memref<!tpu.dma_semaphore, #tpu.memory_space<semaphore_mem>>) src(%dma_wait3A_37 : memref<640x128xf32, #tpu.memory_space<vmem_shared>>) dst(%dma_wait3A_35 : memref<640x128xf32, #tpu.memory_space<hbm>>)
      tpu.yield
    }) : () -> ()
    return
  }
}

#map = affine_map<(d0, d1) -> (0, 0)>
#map1 = affine_map<(d0, d1) -> (0, 0, 0, 0)>
#map2 = affine_map<(d0, d1) -> (0, 0, 0)>
module attributes {stable_mosaic.version = 14 : i64} {
  func.func @_agg_body(%arg0: i32, %arg1: i32, %arg2: memref<10000x128xf32, #tpu.memory_space<hbm>>, %arg3: memref<32x80x2x128xi32, #tpu.memory_space<hbm>>, %arg4: memref<10240x128xf32, #tpu.memory_space<hbm>>, %arg5: memref<2x10240x128xf32, #tpu.memory_space<hbm>>, %arg6: memref<10240x128xf32, #tpu.memory_space<vmem_shared>>, %arg7: memref<2x128xi32, #tpu.memory_space<vmem>>, %arg8: memref<2x128xi32, #tpu.memory_space<vmem>>, %arg9: memref<128x128xf32, #tpu.memory_space<vmem>>, %arg10: memref<128x128xf32, #tpu.memory_space<vmem>>, %arg11: memref<!tpu.dma_semaphore, #tpu.memory_space<semaphore_mem>>, %arg12: memref<!tpu.dma_semaphore, #tpu.memory_space<semaphore_mem>>, %arg13: memref<!tpu.dma_semaphore, #tpu.memory_space<semaphore_mem>>, %arg14: memref<!tpu.dma_semaphore, #tpu.memory_space<semaphore_mem>>) attributes {dimension_semantics = [#tpu.dimension_semantics<core_parallel>, #tpu.dimension_semantics<subcore_parallel>], iteration_bounds = array<i64: 2, 16>, scalar_prefetch = 0 : i64, scratch_operands = 9 : i64, tpu.core_type = #tpu.core_type<sc_vector_subcore>, window_params = [{transform_indices = #map}, {transform_indices = #map1}, {transform_indices = #map}, {transform_indices = #map2}]} {
    %mul3A = arith.constant 16 : i32
    %mul3A_0 = arith.muli %arg0, %mul3A : i32
    %add3A = arith.addi %mul3A_0, %arg1 : i32
    %mul3A_1 = arith.constant 640 : i32
    %mul3A_2 = arith.muli %arg1, %mul3A_1 : i32
    %mul3A_3 = arith.constant 640 : i32
    %mul3A_4 = arith.muli %arg1, %mul3A_3 : i32
    "tpu.region"() ({
      %run_scoped3A_27 = tpu.sem_alloc : memref<!tpu.dma_semaphore, #tpu.memory_space<semaphore_mem>>
      %dma_start3A_28 = arith.constant 0 : i32
      %dma_start3A_29 = tpu.memref_slice %arg6[%mul3A_4, %dma_start3A_28] : memref<10240x128xf32, #tpu.memory_space<vmem_shared>> -> memref<640x128xf32, #tpu.memory_space<vmem_shared>>
      %dma_start3A_30 = arith.constant 0 : i32
      %dma_start3A_31 = tpu.memref_slice %arg4[%mul3A_2, %dma_start3A_30] : memref<10240x128xf32, #tpu.memory_space<hbm>> -> memref<640x128xf32, #tpu.memory_space<hbm>>
      tpu.enqueue_dma source(%dma_start3A_31 : memref<640x128xf32, #tpu.memory_space<hbm>>) target(%dma_start3A_29 : memref<640x128xf32, #tpu.memory_space<vmem_shared>>) target_semaphore(%run_scoped3A_27 : memref<!tpu.dma_semaphore, #tpu.memory_space<semaphore_mem>>)
      %dma_wait3A_32 = arith.constant 0 : i32
      %dma_wait3A_33 = tpu.memref_slice %arg6[%mul3A_4, %dma_wait3A_32] : memref<10240x128xf32, #tpu.memory_space<vmem_shared>> -> memref<640x128xf32, #tpu.memory_space<vmem_shared>>
      %dma_wait3A_34 = arith.constant 0 : i32
      %dma_wait3A_35 = tpu.memref_slice %arg4[%mul3A_2, %dma_wait3A_34] : memref<10240x128xf32, #tpu.memory_space<hbm>> -> memref<640x128xf32, #tpu.memory_space<hbm>>
      tpu.wait_dma2 semaphore(%run_scoped3A_27 : memref<!tpu.dma_semaphore, #tpu.memory_space<semaphore_mem>>) src(%dma_wait3A_35 : memref<640x128xf32, #tpu.memory_space<hbm>>) dst(%dma_wait3A_33 : memref<640x128xf32, #tpu.memory_space<vmem_shared>>)
      tpu.yield
    }) : () -> ()
    %barrier3A = arith.constant 0 : index
    tpu.barrier barrier_id(%barrier3A)
    %run_scoped3A = arith.constant 0 : i32
    "tpu.region"() ({
      %run_scoped3A_27 = tpu.sem_alloc : memref<!tpu.dma_semaphore, #tpu.memory_space<semaphore_mem>>
      %dma_start3A_28 = arith.constant 0 : i32
      %dma_start3A_29 = arith.constant 0 : i32
      %dma_start3A_30 = tpu.memref_slice %arg3[%add3A, %run_scoped3A, %dma_start3A_28, %dma_start3A_29] : memref<32x80x2x128xi32, #tpu.memory_space<hbm>> -> memref<1x1x2x128xi32, #tpu.memory_space<hbm>>
      %dma_start3A_31 = tpu.memref_squeeze %dma_start3A_30 : memref<1x1x2x128xi32, #tpu.memory_space<hbm>> -> memref<2x128xi32, #tpu.memory_space<hbm>>
      %dma_start3A_32 = arith.constant 0 : i32
      %dma_start3A_33 = arith.constant 0 : i32
      %dma_start3A_34 = tpu.memref_slice %arg3[%add3A, %run_scoped3A, %dma_start3A_32, %dma_start3A_33] : memref<32x80x2x128xi32, #tpu.memory_space<hbm>> -> memref<1x1x2x128xi32, #tpu.memory_space<hbm>>
      %dma_start3A_35 = tpu.memref_squeeze %dma_start3A_34 : memref<1x1x2x128xi32, #tpu.memory_space<hbm>> -> memref<2x128xi32, #tpu.memory_space<hbm>>
      tpu.enqueue_dma source(%dma_start3A_35 : memref<2x128xi32, #tpu.memory_space<hbm>>) target(%arg7 : memref<2x128xi32, #tpu.memory_space<vmem>>) target_semaphore(%run_scoped3A_27 : memref<!tpu.dma_semaphore, #tpu.memory_space<semaphore_mem>>)
      %dma_wait3A_36 = arith.constant 0 : i32
      %dma_wait3A_37 = arith.constant 0 : i32
      %dma_wait3A_38 = tpu.memref_slice %arg3[%add3A, %run_scoped3A, %dma_wait3A_36, %dma_wait3A_37] : memref<32x80x2x128xi32, #tpu.memory_space<hbm>> -> memref<1x1x2x128xi32, #tpu.memory_space<hbm>>
      %dma_wait3A_39 = tpu.memref_squeeze %dma_wait3A_38 : memref<1x1x2x128xi32, #tpu.memory_space<hbm>> -> memref<2x128xi32, #tpu.memory_space<hbm>>
      %dma_wait3A_40 = arith.constant 0 : i32
      %dma_wait3A_41 = arith.constant 0 : i32
      %dma_wait3A_42 = tpu.memref_slice %arg3[%add3A, %run_scoped3A, %dma_wait3A_40, %dma_wait3A_41] : memref<32x80x2x128xi32, #tpu.memory_space<hbm>> -> memref<1x1x2x128xi32, #tpu.memory_space<hbm>>
      %dma_wait3A_43 = tpu.memref_squeeze %dma_wait3A_42 : memref<1x1x2x128xi32, #tpu.memory_space<hbm>> -> memref<2x128xi32, #tpu.memory_space<hbm>>
      tpu.wait_dma2 semaphore(%run_scoped3A_27 : memref<!tpu.dma_semaphore, #tpu.memory_space<semaphore_mem>>) src(%dma_wait3A_43 : memref<2x128xi32, #tpu.memory_space<hbm>>) dst(%arg7 : memref<2x128xi32, #tpu.memory_space<vmem>>)
      tpu.yield
    }) : () -> ()
    %dma_start3A = arith.constant 0 : i32
    %dma_start3A_5 = arith.constant 0 : i32
    %dma_start3A_6 = tpu.memref_slice %arg7[%dma_start3A, %dma_start3A_5] : memref<2x128xi32, #tpu.memory_space<vmem>> -> memref<1x128xi32, #tpu.memory_space<vmem>>
    %dma_start3A_7 = tpu.memref_squeeze %dma_start3A_6 : memref<1x128xi32, #tpu.memory_space<vmem>> -> memref<128xi32, #tpu.memory_space<vmem>>
    %dma_start3A_8 = arith.constant 0 : i32
    %dma_start3A_9 = arith.constant 0 : i32
    %dma_start3A_10 = tpu.memref_slice %arg2[%dma_start3A_8, %dma_start3A_9] : memref<10000x128xf32, #tpu.memory_space<hbm>> -> memref<10000x128xf32, #tpu.memory_space<hbm>>
    tpu.enqueue_indirect_dma source(%dma_start3A_10 : memref<10000x128xf32, #tpu.memory_space<hbm>>) target(%arg9 : memref<128x128xf32, #tpu.memory_space<vmem>>) offsets(%dma_start3A_7 : memref<128xi32, #tpu.memory_space<vmem>>) semaphore(%arg11 : memref<!tpu.dma_semaphore, #tpu.memory_space<semaphore_mem>>)
    %scan3A = arith.constant 0 : i32
    %scan3A_11 = arith.constant 0 : i32
    %scan3A_12 = arith.constant 40 : i32
    %scan3A_13 = arith.addi %scan3A_11, %scan3A_12 : i32
    %scan3A_14 = arith.constant 1 : i32
    scf.for %scan3A_27 = %scan3A_11 to %scan3A_13 step %scan3A_14  : i32 {
      %mul3A_28 = arith.constant 2 : i32
      %mul3A_29 = arith.muli %mul3A_28, %scan3A_27 : i32
      %add3A_30 = arith.constant 0 : i32
      %add3A_31 = arith.addi %mul3A_29, %add3A_30 : i32
      %gt3A = arith.constant 0 : i32
      %gt3A_32 = arith.cmpi sgt, %scan3A_27, %gt3A : i32
      %convert_element_type3A = arith.extui %gt3A_32 : i1 to i32
      %cond3A = arith.constant 0 : i32
      %cond3A_33 = arith.cmpi ne, %convert_element_type3A, %cond3A : i32
      scf.if %cond3A_33 {
        %dma_wait3A_86 = arith.constant 1 : i32
        %dma_wait3A_87 = arith.constant 0 : i32
        %dma_wait3A_88 = tpu.memref_slice %arg8[%dma_wait3A_86, %dma_wait3A_87] : memref<2x128xi32, #tpu.memory_space<vmem>> -> memref<1x128xi32, #tpu.memory_space<vmem>>
        %dma_wait3A_89 = tpu.memref_squeeze %dma_wait3A_88 : memref<1x128xi32, #tpu.memory_space<vmem>> -> memref<128xi32, #tpu.memory_space<vmem>>
        %dma_wait3A_90 = arith.constant 0 : i32
        %dma_wait3A_91 = arith.constant 0 : i32
        %dma_wait3A_92 = tpu.memref_slice %arg6[%dma_wait3A_90, %dma_wait3A_91] : memref<10240x128xf32, #tpu.memory_space<vmem_shared>> -> memref<10240x128xf32, #tpu.memory_space<vmem_shared>>
        tpu.wait_indirect_dma semaphore(%arg14 : memref<!tpu.dma_semaphore, #tpu.memory_space<semaphore_mem>>) src(%arg10 : memref<128x128xf32, #tpu.memory_space<vmem>>) dst(%dma_wait3A_92 : memref<10240x128xf32, #tpu.memory_space<vmem_shared>>)
      } else {
      }
      %add3A_34 = arith.constant 1 : i32
      %add3A_35 = arith.addi %add3A_31, %add3A_34 : i32
      "tpu.region"() ({
        %run_scoped3A_86 = tpu.sem_alloc : memref<!tpu.dma_semaphore, #tpu.memory_space<semaphore_mem>>
        %dma_start3A_87 = arith.constant 0 : i32
        %dma_start3A_88 = arith.constant 0 : i32
        %dma_start3A_89 = tpu.memref_slice %arg3[%add3A, %add3A_35, %dma_start3A_87, %dma_start3A_88] : memref<32x80x2x128xi32, #tpu.memory_space<hbm>> -> memref<1x1x2x128xi32, #tpu.memory_space<hbm>>
        %dma_start3A_90 = tpu.memref_squeeze %dma_start3A_89 : memref<1x1x2x128xi32, #tpu.memory_space<hbm>> -> memref<2x128xi32, #tpu.memory_space<hbm>>
        %dma_start3A_91 = arith.constant 0 : i32
        %dma_start3A_92 = arith.constant 0 : i32
        %dma_start3A_93 = tpu.memref_slice %arg3[%add3A, %add3A_35, %dma_start3A_91, %dma_start3A_92] : memref<32x80x2x128xi32, #tpu.memory_space<hbm>> -> memref<1x1x2x128xi32, #tpu.memory_space<hbm>>
        %dma_start3A_94 = tpu.memref_squeeze %dma_start3A_93 : memref<1x1x2x128xi32, #tpu.memory_space<hbm>> -> memref<2x128xi32, #tpu.memory_space<hbm>>
        tpu.enqueue_dma source(%dma_start3A_94 : memref<2x128xi32, #tpu.memory_space<hbm>>) target(%arg8 : memref<2x128xi32, #tpu.memory_space<vmem>>) target_semaphore(%run_scoped3A_86 : memref<!tpu.dma_semaphore, #tpu.memory_space<semaphore_mem>>)
        %dma_wait3A_95 = arith.constant 0 : i32
        %dma_wait3A_96 = arith.constant 0 : i32
        %dma_wait3A_97 = tpu.memref_slice %arg3[%add3A, %add3A_35, %dma_wait3A_95, %dma_wait3A_96] : memref<32x80x2x128xi32, #tpu.memory_space<hbm>> -> memref<1x1x2x128xi32, #tpu.memory_space<hbm>>
        %dma_wait3A_98 = tpu.memref_squeeze %dma_wait3A_97 : memref<1x1x2x128xi32, #tpu.memory_space<hbm>> -> memref<2x128xi32, #tpu.memory_space<hbm>>
        %dma_wait3A_99 = arith.constant 0 : i32
        %dma_wait3A_100 = arith.constant 0 : i32
        %dma_wait3A_101 = tpu.memref_slice %arg3[%add3A, %add3A_35, %dma_wait3A_99, %dma_wait3A_100] : memref<32x80x2x128xi32, #tpu.memory_space<hbm>> -> memref<1x1x2x128xi32, #tpu.memory_space<hbm>>
        %dma_wait3A_102 = tpu.memref_squeeze %dma_wait3A_101 : memref<1x1x2x128xi32, #tpu.memory_space<hbm>> -> memref<2x128xi32, #tpu.memory_space<hbm>>
        tpu.wait_dma2 semaphore(%run_scoped3A_86 : memref<!tpu.dma_semaphore, #tpu.memory_space<semaphore_mem>>) src(%dma_wait3A_102 : memref<2x128xi32, #tpu.memory_space<hbm>>) dst(%arg8 : memref<2x128xi32, #tpu.memory_space<vmem>>)
        tpu.yield
      }) : () -> ()
      %dma_start3A_36 = arith.constant 0 : i32
      %dma_start3A_37 = arith.constant 0 : i32
      %dma_start3A_38 = tpu.memref_slice %arg8[%dma_start3A_36, %dma_start3A_37] : memref<2x128xi32, #tpu.memory_space<vmem>> -> memref<1x128xi32, #tpu.memory_space<vmem>>
      %dma_start3A_39 = tpu.memref_squeeze %dma_start3A_38 : memref<1x128xi32, #tpu.memory_space<vmem>> -> memref<128xi32, #tpu.memory_space<vmem>>
      %dma_start3A_40 = arith.constant 0 : i32
      %dma_start3A_41 = arith.constant 0 : i32
      %dma_start3A_42 = tpu.memref_slice %arg2[%dma_start3A_40, %dma_start3A_41] : memref<10000x128xf32, #tpu.memory_space<hbm>> -> memref<10000x128xf32, #tpu.memory_space<hbm>>
      tpu.enqueue_indirect_dma source(%dma_start3A_42 : memref<10000x128xf32, #tpu.memory_space<hbm>>) target(%arg10 : memref<128x128xf32, #tpu.memory_space<vmem>>) offsets(%dma_start3A_39 : memref<128xi32, #tpu.memory_space<vmem>>) semaphore(%arg12 : memref<!tpu.dma_semaphore, #tpu.memory_space<semaphore_mem>>)
      %dma_wait3A_43 = arith.constant 0 : i32
      %dma_wait3A_44 = arith.constant 0 : i32
      %dma_wait3A_45 = tpu.memref_slice %arg7[%dma_wait3A_43, %dma_wait3A_44] : memref<2x128xi32, #tpu.memory_space<vmem>> -> memref<1x128xi32, #tpu.memory_space<vmem>>
      %dma_wait3A_46 = tpu.memref_squeeze %dma_wait3A_45 : memref<1x128xi32, #tpu.memory_space<vmem>> -> memref<128xi32, #tpu.memory_space<vmem>>
      %dma_wait3A_47 = arith.constant 0 : i32
      %dma_wait3A_48 = arith.constant 0 : i32
      %dma_wait3A_49 = tpu.memref_slice %arg2[%dma_wait3A_47, %dma_wait3A_48] : memref<10000x128xf32, #tpu.memory_space<hbm>> -> memref<10000x128xf32, #tpu.memory_space<hbm>>
      tpu.wait_indirect_dma semaphore(%arg11 : memref<!tpu.dma_semaphore, #tpu.memory_space<semaphore_mem>>) src(%dma_wait3A_49 : memref<10000x128xf32, #tpu.memory_space<hbm>>) dst(%arg9 : memref<128x128xf32, #tpu.memory_space<vmem>>)
      %dma_start3A_50 = arith.constant 1 : i32
      %dma_start3A_51 = arith.constant 0 : i32
      %dma_start3A_52 = tpu.memref_slice %arg7[%dma_start3A_50, %dma_start3A_51] : memref<2x128xi32, #tpu.memory_space<vmem>> -> memref<1x128xi32, #tpu.memory_space<vmem>>
      %dma_start3A_53 = tpu.memref_squeeze %dma_start3A_52 : memref<1x128xi32, #tpu.memory_space<vmem>> -> memref<128xi32, #tpu.memory_space<vmem>>
      %dma_start3A_54 = arith.constant 0 : i32
      %dma_start3A_55 = arith.constant 0 : i32
      %dma_start3A_56 = tpu.memref_slice %arg6[%dma_start3A_54, %dma_start3A_55] : memref<10240x128xf32, #tpu.memory_space<vmem_shared>> -> memref<10240x128xf32, #tpu.memory_space<vmem_shared>>
      tpu.enqueue_indirect_dma source(%arg9 : memref<128x128xf32, #tpu.memory_space<vmem>>) target(%dma_start3A_56 : memref<10240x128xf32, #tpu.memory_space<vmem_shared>>) offsets(%dma_start3A_53 : memref<128xi32, #tpu.memory_space<vmem>>) semaphore(%arg13 : memref<!tpu.dma_semaphore, #tpu.memory_space<semaphore_mem>>) {add = true}
      %mul3A_57 = arith.constant 2 : i32
      %mul3A_58 = arith.muli %mul3A_57, %scan3A_27 : i32
      %add3A_59 = arith.constant 1 : i32
      %add3A_60 = arith.addi %mul3A_58, %add3A_59 : i32
      %dma_wait3A_61 = arith.constant 1 : i32
      %dma_wait3A_62 = arith.constant 0 : i32
      %dma_wait3A_63 = tpu.memref_slice %arg7[%dma_wait3A_61, %dma_wait3A_62] : memref<2x128xi32, #tpu.memory_space<vmem>> -> memref<1x128xi32, #tpu.memory_space<vmem>>
      %dma_wait3A_64 = tpu.memref_squeeze %dma_wait3A_63 : memref<1x128xi32, #tpu.memory_space<vmem>> -> memref<128xi32, #tpu.memory_space<vmem>>
      %dma_wait3A_65 = arith.constant 0 : i32
      %dma_wait3A_66 = arith.constant 0 : i32
      %dma_wait3A_67 = tpu.memref_slice %arg6[%dma_wait3A_65, %dma_wait3A_66] : memref<10240x128xf32, #tpu.memory_space<vmem_shared>> -> memref<10240x128xf32, #tpu.memory_space<vmem_shared>>
      tpu.wait_indirect_dma semaphore(%arg13 : memref<!tpu.dma_semaphore, #tpu.memory_space<semaphore_mem>>) src(%arg9 : memref<128x128xf32, #tpu.memory_space<vmem>>) dst(%dma_wait3A_67 : memref<10240x128xf32, #tpu.memory_space<vmem_shared>>)
      %lt3A = arith.constant 39 : i32
      %lt3A_68 = arith.cmpi slt, %scan3A_27, %lt3A : i32
      %convert_element_type3A_69 = arith.extui %lt3A_68 : i1 to i32
      %cond3A_70 = arith.constant 0 : i32
      %cond3A_71 = arith.cmpi ne, %convert_element_type3A_69, %cond3A_70 : i32
      scf.if %cond3A_71 {
        %add3A_86 = arith.constant 1 : i32
        %add3A_87 = arith.addi %add3A_60, %add3A_86 : i32
        "tpu.region"() ({
          %run_scoped3A_95 = tpu.sem_alloc : memref<!tpu.dma_semaphore, #tpu.memory_space<semaphore_mem>>
          %dma_start3A_96 = arith.constant 0 : i32
          %dma_start3A_97 = arith.constant 0 : i32
          %dma_start3A_98 = tpu.memref_slice %arg3[%add3A, %add3A_87, %dma_start3A_96, %dma_start3A_97] : memref<32x80x2x128xi32, #tpu.memory_space<hbm>> -> memref<1x1x2x128xi32, #tpu.memory_space<hbm>>
          %dma_start3A_99 = tpu.memref_squeeze %dma_start3A_98 : memref<1x1x2x128xi32, #tpu.memory_space<hbm>> -> memref<2x128xi32, #tpu.memory_space<hbm>>
          %dma_start3A_100 = arith.constant 0 : i32
          %dma_start3A_101 = arith.constant 0 : i32
          %dma_start3A_102 = tpu.memref_slice %arg3[%add3A, %add3A_87, %dma_start3A_100, %dma_start3A_101] : memref<32x80x2x128xi32, #tpu.memory_space<hbm>> -> memref<1x1x2x128xi32, #tpu.memory_space<hbm>>
          %dma_start3A_103 = tpu.memref_squeeze %dma_start3A_102 : memref<1x1x2x128xi32, #tpu.memory_space<hbm>> -> memref<2x128xi32, #tpu.memory_space<hbm>>
          tpu.enqueue_dma source(%dma_start3A_103 : memref<2x128xi32, #tpu.memory_space<hbm>>) target(%arg7 : memref<2x128xi32, #tpu.memory_space<vmem>>) target_semaphore(%run_scoped3A_95 : memref<!tpu.dma_semaphore, #tpu.memory_space<semaphore_mem>>)
          %dma_wait3A_104 = arith.constant 0 : i32
          %dma_wait3A_105 = arith.constant 0 : i32
          %dma_wait3A_106 = tpu.memref_slice %arg3[%add3A, %add3A_87, %dma_wait3A_104, %dma_wait3A_105] : memref<32x80x2x128xi32, #tpu.memory_space<hbm>> -> memref<1x1x2x128xi32, #tpu.memory_space<hbm>>
          %dma_wait3A_107 = tpu.memref_squeeze %dma_wait3A_106 : memref<1x1x2x128xi32, #tpu.memory_space<hbm>> -> memref<2x128xi32, #tpu.memory_space<hbm>>
          %dma_wait3A_108 = arith.constant 0 : i32
          %dma_wait3A_109 = arith.constant 0 : i32
          %dma_wait3A_110 = tpu.memref_slice %arg3[%add3A, %add3A_87, %dma_wait3A_108, %dma_wait3A_109] : memref<32x80x2x128xi32, #tpu.memory_space<hbm>> -> memref<1x1x2x128xi32, #tpu.memory_space<hbm>>
          %dma_wait3A_111 = tpu.memref_squeeze %dma_wait3A_110 : memref<1x1x2x128xi32, #tpu.memory_space<hbm>> -> memref<2x128xi32, #tpu.memory_space<hbm>>
          tpu.wait_dma2 semaphore(%run_scoped3A_95 : memref<!tpu.dma_semaphore, #tpu.memory_space<semaphore_mem>>) src(%dma_wait3A_111 : memref<2x128xi32, #tpu.memory_space<hbm>>) dst(%arg7 : memref<2x128xi32, #tpu.memory_space<vmem>>)
          tpu.yield
        }) : () -> ()
        %dma_start3A_88 = arith.constant 0 : i32
        %dma_start3A_89 = arith.constant 0 : i32
        %dma_start3A_90 = tpu.memref_slice %arg7[%dma_start3A_88, %dma_start3A_89] : memref<2x128xi32, #tpu.memory_space<vmem>> -> memref<1x128xi32, #tpu.memory_space<vmem>>
        %dma_start3A_91 = tpu.memref_squeeze %dma_start3A_90 : memref<1x128xi32, #tpu.memory_space<vmem>> -> memref<128xi32, #tpu.memory_space<vmem>>
        %dma_start3A_92 = arith.constant 0 : i32
        %dma_start3A_93 = arith.constant 0 : i32
        %dma_start3A_94 = tpu.memref_slice %arg2[%dma_start3A_92, %dma_start3A_93] : memref<10000x128xf32, #tpu.memory_space<hbm>> -> memref<10000x128xf32, #tpu.memory_space<hbm>>
        tpu.enqueue_indirect_dma source(%dma_start3A_94 : memref<10000x128xf32, #tpu.memory_space<hbm>>) target(%arg9 : memref<128x128xf32, #tpu.memory_space<vmem>>) offsets(%dma_start3A_91 : memref<128xi32, #tpu.memory_space<vmem>>) semaphore(%arg11 : memref<!tpu.dma_semaphore, #tpu.memory_space<semaphore_mem>>)
      } else {
      }
      %dma_wait3A_72 = arith.constant 0 : i32
      %dma_wait3A_73 = arith.constant 0 : i32
      %dma_wait3A_74 = tpu.memref_slice %arg8[%dma_wait3A_72, %dma_wait3A_73] : memref<2x128xi32, #tpu.memory_space<vmem>> -> memref<1x128xi32, #tpu.memory_space<vmem>>
      %dma_wait3A_75 = tpu.memref_squeeze %dma_wait3A_74 : memref<1x128xi32, #tpu.memory_space<vmem>> -> memref<128xi32, #tpu.memory_space<vmem>>
      %dma_wait3A_76 = arith.constant 0 : i32
      %dma_wait3A_77 = arith.constant 0 : i32
      %dma_wait3A_78 = tpu.memref_slice %arg2[%dma_wait3A_76, %dma_wait3A_77] : memref<10000x128xf32, #tpu.memory_space<hbm>> -> memref<10000x128xf32, #tpu.memory_space<hbm>>
      tpu.wait_indirect_dma semaphore(%arg12 : memref<!tpu.dma_semaphore, #tpu.memory_space<semaphore_mem>>) src(%dma_wait3A_78 : memref<10000x128xf32, #tpu.memory_space<hbm>>) dst(%arg10 : memref<128x128xf32, #tpu.memory_space<vmem>>)
      %dma_start3A_79 = arith.constant 1 : i32
      %dma_start3A_80 = arith.constant 0 : i32
      %dma_start3A_81 = tpu.memref_slice %arg8[%dma_start3A_79, %dma_start3A_80] : memref<2x128xi32, #tpu.memory_space<vmem>> -> memref<1x128xi32, #tpu.memory_space<vmem>>
      %dma_start3A_82 = tpu.memref_squeeze %dma_start3A_81 : memref<1x128xi32, #tpu.memory_space<vmem>> -> memref<128xi32, #tpu.memory_space<vmem>>
      %dma_start3A_83 = arith.constant 0 : i32
      %dma_start3A_84 = arith.constant 0 : i32
      %dma_start3A_85 = tpu.memref_slice %arg6[%dma_start3A_83, %dma_start3A_84] : memref<10240x128xf32, #tpu.memory_space<vmem_shared>> -> memref<10240x128xf32, #tpu.memory_space<vmem_shared>>
      tpu.enqueue_indirect_dma source(%arg10 : memref<128x128xf32, #tpu.memory_space<vmem>>) target(%dma_start3A_85 : memref<10240x128xf32, #tpu.memory_space<vmem_shared>>) offsets(%dma_start3A_82 : memref<128xi32, #tpu.memory_space<vmem>>) semaphore(%arg14 : memref<!tpu.dma_semaphore, #tpu.memory_space<semaphore_mem>>) {add = true}
    }
    %scan3A_15 = arith.constant 40 : i32
    %dma_wait3A = arith.constant 1 : i32
    %dma_wait3A_16 = arith.constant 0 : i32
    %dma_wait3A_17 = tpu.memref_slice %arg8[%dma_wait3A, %dma_wait3A_16] : memref<2x128xi32, #tpu.memory_space<vmem>> -> memref<1x128xi32, #tpu.memory_space<vmem>>
    %dma_wait3A_18 = tpu.memref_squeeze %dma_wait3A_17 : memref<1x128xi32, #tpu.memory_space<vmem>> -> memref<128xi32, #tpu.memory_space<vmem>>
    %dma_wait3A_19 = arith.constant 0 : i32
    %dma_wait3A_20 = arith.constant 0 : i32
    %dma_wait3A_21 = tpu.memref_slice %arg6[%dma_wait3A_19, %dma_wait3A_20] : memref<10240x128xf32, #tpu.memory_space<vmem_shared>> -> memref<10240x128xf32, #tpu.memory_space<vmem_shared>>
    tpu.wait_indirect_dma semaphore(%arg14 : memref<!tpu.dma_semaphore, #tpu.memory_space<semaphore_mem>>) src(%arg10 : memref<128x128xf32, #tpu.memory_space<vmem>>) dst(%dma_wait3A_21 : memref<10240x128xf32, #tpu.memory_space<vmem_shared>>)
    %barrier3A_22 = arith.constant 0 : index
    tpu.barrier barrier_id(%barrier3A_22)
    %mul3A_23 = arith.constant 640 : i32
    %mul3A_24 = arith.muli %arg1, %mul3A_23 : i32
    %mul3A_25 = arith.constant 640 : i32
    %mul3A_26 = arith.muli %arg1, %mul3A_25 : i32
    "tpu.region"() ({
      %run_scoped3A_27 = tpu.sem_alloc : memref<!tpu.dma_semaphore, #tpu.memory_space<semaphore_mem>>
      %dma_start3A_28 = arith.constant 0 : i32
      %dma_start3A_29 = tpu.memref_slice %arg5[%arg0, %mul3A_26, %dma_start3A_28] : memref<2x10240x128xf32, #tpu.memory_space<hbm>> -> memref<1x640x128xf32, #tpu.memory_space<hbm>>
      %dma_start3A_30 = tpu.memref_squeeze %dma_start3A_29 : memref<1x640x128xf32, #tpu.memory_space<hbm>> -> memref<640x128xf32, #tpu.memory_space<hbm>>
      %dma_start3A_31 = arith.constant 0 : i32
      %dma_start3A_32 = tpu.memref_slice %arg6[%mul3A_24, %dma_start3A_31] : memref<10240x128xf32, #tpu.memory_space<vmem_shared>> -> memref<640x128xf32, #tpu.memory_space<vmem_shared>>
      tpu.enqueue_dma source(%dma_start3A_32 : memref<640x128xf32, #tpu.memory_space<vmem_shared>>) target(%dma_start3A_30 : memref<640x128xf32, #tpu.memory_space<hbm>>) target_semaphore(%run_scoped3A_27 : memref<!tpu.dma_semaphore, #tpu.memory_space<semaphore_mem>>)
      %dma_wait3A_33 = arith.constant 0 : i32
      %dma_wait3A_34 = tpu.memref_slice %arg5[%arg0, %mul3A_26, %dma_wait3A_33] : memref<2x10240x128xf32, #tpu.memory_space<hbm>> -> memref<1x640x128xf32, #tpu.memory_space<hbm>>
      %dma_wait3A_35 = tpu.memref_squeeze %dma_wait3A_34 : memref<1x640x128xf32, #tpu.memory_space<hbm>> -> memref<640x128xf32, #tpu.memory_space<hbm>>
      %dma_wait3A_36 = arith.constant 0 : i32
      %dma_wait3A_37 = tpu.memref_slice %arg6[%mul3A_24, %dma_wait3A_36] : memref<10240x128xf32, #tpu.memory_space<vmem_shared>> -> memref<640x128xf32, #tpu.memory_space<vmem_shared>>
      tpu.wait_dma2 semaphore(%run_scoped3A_27 : memref<!tpu.dma_semaphore, #tpu.memory_space<semaphore_mem>>) src(%dma_wait3A_37 : memref<640x128xf32, #tpu.memory_space<vmem_shared>>) dst(%dma_wait3A_35 : memref<640x128xf32, #tpu.memory_space<hbm>>)
      tpu.yield
    }) : () -> ()
    return
  }
}

#map = affine_map<(d0, d1) -> (0, 0)>
#map1 = affine_map<(d0, d1) -> (0, 0, 0, 0)>
#map2 = affine_map<(d0, d1) -> (0, 0, 0)>
module attributes {stable_mosaic.version = 14 : i64} {
  func.func @_agg_body(%arg0: i32, %arg1: i32, %arg2: memref<10000x128xf32, #tpu.memory_space<hbm>>, %arg3: memref<32x80x2x128xi32, #tpu.memory_space<hbm>>, %arg4: memref<10240x128xf32, #tpu.memory_space<hbm>>, %arg5: memref<2x10240x128xf32, #tpu.memory_space<hbm>>, %arg6: memref<10240x128xf32, #tpu.memory_space<vmem_shared>>, %arg7: memref<2x128xi32, #tpu.memory_space<vmem>>, %arg8: memref<2x128xi32, #tpu.memory_space<vmem>>, %arg9: memref<128x128xf32, #tpu.memory_space<vmem>>, %arg10: memref<128x128xf32, #tpu.memory_space<vmem>>, %arg11: memref<!tpu.dma_semaphore, #tpu.memory_space<semaphore_mem>>, %arg12: memref<!tpu.dma_semaphore, #tpu.memory_space<semaphore_mem>>, %arg13: memref<!tpu.dma_semaphore, #tpu.memory_space<semaphore_mem>>, %arg14: memref<!tpu.dma_semaphore, #tpu.memory_space<semaphore_mem>>) attributes {dimension_semantics = [#tpu.dimension_semantics<core_parallel>, #tpu.dimension_semantics<subcore_parallel>], iteration_bounds = array<i64: 2, 16>, scalar_prefetch = 0 : i64, scratch_operands = 9 : i64, tpu.core_type = #tpu.core_type<sc_vector_subcore>, window_params = [{transform_indices = #map}, {transform_indices = #map1}, {transform_indices = #map}, {transform_indices = #map2}]} {
    %mul3A = arith.constant 16 : i32
    %mul3A_0 = arith.muli %arg0, %mul3A : i32
    %add3A = arith.addi %mul3A_0, %arg1 : i32
    %mul3A_1 = arith.constant 640 : i32
    %mul3A_2 = arith.muli %arg1, %mul3A_1 : i32
    %mul3A_3 = arith.constant 640 : i32
    %mul3A_4 = arith.muli %arg1, %mul3A_3 : i32
    "tpu.region"() ({
      %run_scoped3A_27 = tpu.sem_alloc : memref<!tpu.dma_semaphore, #tpu.memory_space<semaphore_mem>>
      %dma_start3A_28 = arith.constant 0 : i32
      %dma_start3A_29 = tpu.memref_slice %arg6[%mul3A_4, %dma_start3A_28] : memref<10240x128xf32, #tpu.memory_space<vmem_shared>> -> memref<640x128xf32, #tpu.memory_space<vmem_shared>>
      %dma_start3A_30 = arith.constant 0 : i32
      %dma_start3A_31 = tpu.memref_slice %arg4[%mul3A_2, %dma_start3A_30] : memref<10240x128xf32, #tpu.memory_space<hbm>> -> memref<640x128xf32, #tpu.memory_space<hbm>>
      tpu.enqueue_dma source(%dma_start3A_31 : memref<640x128xf32, #tpu.memory_space<hbm>>) target(%dma_start3A_29 : memref<640x128xf32, #tpu.memory_space<vmem_shared>>) target_semaphore(%run_scoped3A_27 : memref<!tpu.dma_semaphore, #tpu.memory_space<semaphore_mem>>)
      %dma_wait3A_32 = arith.constant 0 : i32
      %dma_wait3A_33 = tpu.memref_slice %arg6[%mul3A_4, %dma_wait3A_32] : memref<10240x128xf32, #tpu.memory_space<vmem_shared>> -> memref<640x128xf32, #tpu.memory_space<vmem_shared>>
      %dma_wait3A_34 = arith.constant 0 : i32
      %dma_wait3A_35 = tpu.memref_slice %arg4[%mul3A_2, %dma_wait3A_34] : memref<10240x128xf32, #tpu.memory_space<hbm>> -> memref<640x128xf32, #tpu.memory_space<hbm>>
      tpu.wait_dma2 semaphore(%run_scoped3A_27 : memref<!tpu.dma_semaphore, #tpu.memory_space<semaphore_mem>>) src(%dma_wait3A_35 : memref<640x128xf32, #tpu.memory_space<hbm>>) dst(%dma_wait3A_33 : memref<640x128xf32, #tpu.memory_space<vmem_shared>>)
      tpu.yield
    }) : () -> ()
    %barrier3A = arith.constant 0 : index
    tpu.barrier barrier_id(%barrier3A)
    %run_scoped3A = arith.constant 0 : i32
    "tpu.region"() ({
      %run_scoped3A_27 = tpu.sem_alloc : memref<!tpu.dma_semaphore, #tpu.memory_space<semaphore_mem>>
      %dma_start3A_28 = arith.constant 0 : i32
      %dma_start3A_29 = arith.constant 0 : i32
      %dma_start3A_30 = tpu.memref_slice %arg3[%add3A, %run_scoped3A, %dma_start3A_28, %dma_start3A_29] : memref<32x80x2x128xi32, #tpu.memory_space<hbm>> -> memref<1x1x2x128xi32, #tpu.memory_space<hbm>>
      %dma_start3A_31 = tpu.memref_squeeze %dma_start3A_30 : memref<1x1x2x128xi32, #tpu.memory_space<hbm>> -> memref<2x128xi32, #tpu.memory_space<hbm>>
      %dma_start3A_32 = arith.constant 0 : i32
      %dma_start3A_33 = arith.constant 0 : i32
      %dma_start3A_34 = tpu.memref_slice %arg3[%add3A, %run_scoped3A, %dma_start3A_32, %dma_start3A_33] : memref<32x80x2x128xi32, #tpu.memory_space<hbm>> -> memref<1x1x2x128xi32, #tpu.memory_space<hbm>>
      %dma_start3A_35 = tpu.memref_squeeze %dma_start3A_34 : memref<1x1x2x128xi32, #tpu.memory_space<hbm>> -> memref<2x128xi32, #tpu.memory_space<hbm>>
      tpu.enqueue_dma source(%dma_start3A_35 : memref<2x128xi32, #tpu.memory_space<hbm>>) target(%arg7 : memref<2x128xi32, #tpu.memory_space<vmem>>) target_semaphore(%run_scoped3A_27 : memref<!tpu.dma_semaphore, #tpu.memory_space<semaphore_mem>>)
      %dma_wait3A_36 = arith.constant 0 : i32
      %dma_wait3A_37 = arith.constant 0 : i32
      %dma_wait3A_38 = tpu.memref_slice %arg3[%add3A, %run_scoped3A, %dma_wait3A_36, %dma_wait3A_37] : memref<32x80x2x128xi32, #tpu.memory_space<hbm>> -> memref<1x1x2x128xi32, #tpu.memory_space<hbm>>
      %dma_wait3A_39 = tpu.memref_squeeze %dma_wait3A_38 : memref<1x1x2x128xi32, #tpu.memory_space<hbm>> -> memref<2x128xi32, #tpu.memory_space<hbm>>
      %dma_wait3A_40 = arith.constant 0 : i32
      %dma_wait3A_41 = arith.constant 0 : i32
      %dma_wait3A_42 = tpu.memref_slice %arg3[%add3A, %run_scoped3A, %dma_wait3A_40, %dma_wait3A_41] : memref<32x80x2x128xi32, #tpu.memory_space<hbm>> -> memref<1x1x2x128xi32, #tpu.memory_space<hbm>>
      %dma_wait3A_43 = tpu.memref_squeeze %dma_wait3A_42 : memref<1x1x2x128xi32, #tpu.memory_space<hbm>> -> memref<2x128xi32, #tpu.memory_space<hbm>>
      tpu.wait_dma2 semaphore(%run_scoped3A_27 : memref<!tpu.dma_semaphore, #tpu.memory_space<semaphore_mem>>) src(%dma_wait3A_43 : memref<2x128xi32, #tpu.memory_space<hbm>>) dst(%arg7 : memref<2x128xi32, #tpu.memory_space<vmem>>)
      tpu.yield
    }) : () -> ()
    %dma_start3A = arith.constant 0 : i32
    %dma_start3A_5 = arith.constant 0 : i32
    %dma_start3A_6 = tpu.memref_slice %arg7[%dma_start3A, %dma_start3A_5] : memref<2x128xi32, #tpu.memory_space<vmem>> -> memref<1x128xi32, #tpu.memory_space<vmem>>
    %dma_start3A_7 = tpu.memref_squeeze %dma_start3A_6 : memref<1x128xi32, #tpu.memory_space<vmem>> -> memref<128xi32, #tpu.memory_space<vmem>>
    %dma_start3A_8 = arith.constant 0 : i32
    %dma_start3A_9 = arith.constant 0 : i32
    %dma_start3A_10 = tpu.memref_slice %arg2[%dma_start3A_8, %dma_start3A_9] : memref<10000x128xf32, #tpu.memory_space<hbm>> -> memref<10000x128xf32, #tpu.memory_space<hbm>>
    tpu.enqueue_indirect_dma source(%dma_start3A_10 : memref<10000x128xf32, #tpu.memory_space<hbm>>) target(%arg9 : memref<128x128xf32, #tpu.memory_space<vmem>>) offsets(%dma_start3A_7 : memref<128xi32, #tpu.memory_space<vmem>>) semaphore(%arg11 : memref<!tpu.dma_semaphore, #tpu.memory_space<semaphore_mem>>)
    %scan3A = arith.constant 0 : i32
    %scan3A_11 = arith.constant 0 : i32
    %scan3A_12 = arith.constant 40 : i32
    %scan3A_13 = arith.addi %scan3A_11, %scan3A_12 : i32
    %scan3A_14 = arith.constant 1 : i32
    scf.for %scan3A_27 = %scan3A_11 to %scan3A_13 step %scan3A_14  : i32 {
      %mul3A_28 = arith.constant 2 : i32
      %mul3A_29 = arith.muli %mul3A_28, %scan3A_27 : i32
      %add3A_30 = arith.constant 0 : i32
      %add3A_31 = arith.addi %mul3A_29, %add3A_30 : i32
      %gt3A = arith.constant 0 : i32
      %gt3A_32 = arith.cmpi sgt, %scan3A_27, %gt3A : i32
      %convert_element_type3A = arith.extui %gt3A_32 : i1 to i32
      %cond3A = arith.constant 0 : i32
      %cond3A_33 = arith.cmpi ne, %convert_element_type3A, %cond3A : i32
      scf.if %cond3A_33 {
        %dma_wait3A_86 = arith.constant 1 : i32
        %dma_wait3A_87 = arith.constant 0 : i32
        %dma_wait3A_88 = tpu.memref_slice %arg8[%dma_wait3A_86, %dma_wait3A_87] : memref<2x128xi32, #tpu.memory_space<vmem>> -> memref<1x128xi32, #tpu.memory_space<vmem>>
        %dma_wait3A_89 = tpu.memref_squeeze %dma_wait3A_88 : memref<1x128xi32, #tpu.memory_space<vmem>> -> memref<128xi32, #tpu.memory_space<vmem>>
        %dma_wait3A_90 = arith.constant 0 : i32
        %dma_wait3A_91 = arith.constant 0 : i32
        %dma_wait3A_92 = tpu.memref_slice %arg6[%dma_wait3A_90, %dma_wait3A_91] : memref<10240x128xf32, #tpu.memory_space<vmem_shared>> -> memref<10240x128xf32, #tpu.memory_space<vmem_shared>>
        tpu.wait_indirect_dma semaphore(%arg14 : memref<!tpu.dma_semaphore, #tpu.memory_space<semaphore_mem>>) src(%arg10 : memref<128x128xf32, #tpu.memory_space<vmem>>) dst(%dma_wait3A_92 : memref<10240x128xf32, #tpu.memory_space<vmem_shared>>)
      } else {
      }
      %add3A_34 = arith.constant 1 : i32
      %add3A_35 = arith.addi %add3A_31, %add3A_34 : i32
      "tpu.region"() ({
        %run_scoped3A_86 = tpu.sem_alloc : memref<!tpu.dma_semaphore, #tpu.memory_space<semaphore_mem>>
        %dma_start3A_87 = arith.constant 0 : i32
        %dma_start3A_88 = arith.constant 0 : i32
        %dma_start3A_89 = tpu.memref_slice %arg3[%add3A, %add3A_35, %dma_start3A_87, %dma_start3A_88] : memref<32x80x2x128xi32, #tpu.memory_space<hbm>> -> memref<1x1x2x128xi32, #tpu.memory_space<hbm>>
        %dma_start3A_90 = tpu.memref_squeeze %dma_start3A_89 : memref<1x1x2x128xi32, #tpu.memory_space<hbm>> -> memref<2x128xi32, #tpu.memory_space<hbm>>
        %dma_start3A_91 = arith.constant 0 : i32
        %dma_start3A_92 = arith.constant 0 : i32
        %dma_start3A_93 = tpu.memref_slice %arg3[%add3A, %add3A_35, %dma_start3A_91, %dma_start3A_92] : memref<32x80x2x128xi32, #tpu.memory_space<hbm>> -> memref<1x1x2x128xi32, #tpu.memory_space<hbm>>
        %dma_start3A_94 = tpu.memref_squeeze %dma_start3A_93 : memref<1x1x2x128xi32, #tpu.memory_space<hbm>> -> memref<2x128xi32, #tpu.memory_space<hbm>>
        tpu.enqueue_dma source(%dma_start3A_94 : memref<2x128xi32, #tpu.memory_space<hbm>>) target(%arg8 : memref<2x128xi32, #tpu.memory_space<vmem>>) target_semaphore(%run_scoped3A_86 : memref<!tpu.dma_semaphore, #tpu.memory_space<semaphore_mem>>)
        %dma_wait3A_95 = arith.constant 0 : i32
        %dma_wait3A_96 = arith.constant 0 : i32
        %dma_wait3A_97 = tpu.memref_slice %arg3[%add3A, %add3A_35, %dma_wait3A_95, %dma_wait3A_96] : memref<32x80x2x128xi32, #tpu.memory_space<hbm>> -> memref<1x1x2x128xi32, #tpu.memory_space<hbm>>
        %dma_wait3A_98 = tpu.memref_squeeze %dma_wait3A_97 : memref<1x1x2x128xi32, #tpu.memory_space<hbm>> -> memref<2x128xi32, #tpu.memory_space<hbm>>
        %dma_wait3A_99 = arith.constant 0 : i32
        %dma_wait3A_100 = arith.constant 0 : i32
        %dma_wait3A_101 = tpu.memref_slice %arg3[%add3A, %add3A_35, %dma_wait3A_99, %dma_wait3A_100] : memref<32x80x2x128xi32, #tpu.memory_space<hbm>> -> memref<1x1x2x128xi32, #tpu.memory_space<hbm>>
        %dma_wait3A_102 = tpu.memref_squeeze %dma_wait3A_101 : memref<1x1x2x128xi32, #tpu.memory_space<hbm>> -> memref<2x128xi32, #tpu.memory_space<hbm>>
        tpu.wait_dma2 semaphore(%run_scoped3A_86 : memref<!tpu.dma_semaphore, #tpu.memory_space<semaphore_mem>>) src(%dma_wait3A_102 : memref<2x128xi32, #tpu.memory_space<hbm>>) dst(%arg8 : memref<2x128xi32, #tpu.memory_space<vmem>>)
        tpu.yield
      }) : () -> ()
      %dma_start3A_36 = arith.constant 0 : i32
      %dma_start3A_37 = arith.constant 0 : i32
      %dma_start3A_38 = tpu.memref_slice %arg8[%dma_start3A_36, %dma_start3A_37] : memref<2x128xi32, #tpu.memory_space<vmem>> -> memref<1x128xi32, #tpu.memory_space<vmem>>
      %dma_start3A_39 = tpu.memref_squeeze %dma_start3A_38 : memref<1x128xi32, #tpu.memory_space<vmem>> -> memref<128xi32, #tpu.memory_space<vmem>>
      %dma_start3A_40 = arith.constant 0 : i32
      %dma_start3A_41 = arith.constant 0 : i32
      %dma_start3A_42 = tpu.memref_slice %arg2[%dma_start3A_40, %dma_start3A_41] : memref<10000x128xf32, #tpu.memory_space<hbm>> -> memref<10000x128xf32, #tpu.memory_space<hbm>>
      tpu.enqueue_indirect_dma source(%dma_start3A_42 : memref<10000x128xf32, #tpu.memory_space<hbm>>) target(%arg10 : memref<128x128xf32, #tpu.memory_space<vmem>>) offsets(%dma_start3A_39 : memref<128xi32, #tpu.memory_space<vmem>>) semaphore(%arg12 : memref<!tpu.dma_semaphore, #tpu.memory_space<semaphore_mem>>)
      %dma_wait3A_43 = arith.constant 0 : i32
      %dma_wait3A_44 = arith.constant 0 : i32
      %dma_wait3A_45 = tpu.memref_slice %arg7[%dma_wait3A_43, %dma_wait3A_44] : memref<2x128xi32, #tpu.memory_space<vmem>> -> memref<1x128xi32, #tpu.memory_space<vmem>>
      %dma_wait3A_46 = tpu.memref_squeeze %dma_wait3A_45 : memref<1x128xi32, #tpu.memory_space<vmem>> -> memref<128xi32, #tpu.memory_space<vmem>>
      %dma_wait3A_47 = arith.constant 0 : i32
      %dma_wait3A_48 = arith.constant 0 : i32
      %dma_wait3A_49 = tpu.memref_slice %arg2[%dma_wait3A_47, %dma_wait3A_48] : memref<10000x128xf32, #tpu.memory_space<hbm>> -> memref<10000x128xf32, #tpu.memory_space<hbm>>
      tpu.wait_indirect_dma semaphore(%arg11 : memref<!tpu.dma_semaphore, #tpu.memory_space<semaphore_mem>>) src(%dma_wait3A_49 : memref<10000x128xf32, #tpu.memory_space<hbm>>) dst(%arg9 : memref<128x128xf32, #tpu.memory_space<vmem>>)
      %dma_start3A_50 = arith.constant 1 : i32
      %dma_start3A_51 = arith.constant 0 : i32
      %dma_start3A_52 = tpu.memref_slice %arg7[%dma_start3A_50, %dma_start3A_51] : memref<2x128xi32, #tpu.memory_space<vmem>> -> memref<1x128xi32, #tpu.memory_space<vmem>>
      %dma_start3A_53 = tpu.memref_squeeze %dma_start3A_52 : memref<1x128xi32, #tpu.memory_space<vmem>> -> memref<128xi32, #tpu.memory_space<vmem>>
      %dma_start3A_54 = arith.constant 0 : i32
      %dma_start3A_55 = arith.constant 0 : i32
      %dma_start3A_56 = tpu.memref_slice %arg6[%dma_start3A_54, %dma_start3A_55] : memref<10240x128xf32, #tpu.memory_space<vmem_shared>> -> memref<10240x128xf32, #tpu.memory_space<vmem_shared>>
      tpu.enqueue_indirect_dma source(%arg9 : memref<128x128xf32, #tpu.memory_space<vmem>>) target(%dma_start3A_56 : memref<10240x128xf32, #tpu.memory_space<vmem_shared>>) offsets(%dma_start3A_53 : memref<128xi32, #tpu.memory_space<vmem>>) semaphore(%arg13 : memref<!tpu.dma_semaphore, #tpu.memory_space<semaphore_mem>>) {add = true}
      %mul3A_57 = arith.constant 2 : i32
      %mul3A_58 = arith.muli %mul3A_57, %scan3A_27 : i32
      %add3A_59 = arith.constant 1 : i32
      %add3A_60 = arith.addi %mul3A_58, %add3A_59 : i32
      %dma_wait3A_61 = arith.constant 1 : i32
      %dma_wait3A_62 = arith.constant 0 : i32
      %dma_wait3A_63 = tpu.memref_slice %arg7[%dma_wait3A_61, %dma_wait3A_62] : memref<2x128xi32, #tpu.memory_space<vmem>> -> memref<1x128xi32, #tpu.memory_space<vmem>>
      %dma_wait3A_64 = tpu.memref_squeeze %dma_wait3A_63 : memref<1x128xi32, #tpu.memory_space<vmem>> -> memref<128xi32, #tpu.memory_space<vmem>>
      %dma_wait3A_65 = arith.constant 0 : i32
      %dma_wait3A_66 = arith.constant 0 : i32
      %dma_wait3A_67 = tpu.memref_slice %arg6[%dma_wait3A_65, %dma_wait3A_66] : memref<10240x128xf32, #tpu.memory_space<vmem_shared>> -> memref<10240x128xf32, #tpu.memory_space<vmem_shared>>
      tpu.wait_indirect_dma semaphore(%arg13 : memref<!tpu.dma_semaphore, #tpu.memory_space<semaphore_mem>>) src(%arg9 : memref<128x128xf32, #tpu.memory_space<vmem>>) dst(%dma_wait3A_67 : memref<10240x128xf32, #tpu.memory_space<vmem_shared>>)
      %lt3A = arith.constant 39 : i32
      %lt3A_68 = arith.cmpi slt, %scan3A_27, %lt3A : i32
      %convert_element_type3A_69 = arith.extui %lt3A_68 : i1 to i32
      %cond3A_70 = arith.constant 0 : i32
      %cond3A_71 = arith.cmpi ne, %convert_element_type3A_69, %cond3A_70 : i32
      scf.if %cond3A_71 {
        %add3A_86 = arith.constant 1 : i32
        %add3A_87 = arith.addi %add3A_60, %add3A_86 : i32
        "tpu.region"() ({
          %run_scoped3A_95 = tpu.sem_alloc : memref<!tpu.dma_semaphore, #tpu.memory_space<semaphore_mem>>
          %dma_start3A_96 = arith.constant 0 : i32
          %dma_start3A_97 = arith.constant 0 : i32
          %dma_start3A_98 = tpu.memref_slice %arg3[%add3A, %add3A_87, %dma_start3A_96, %dma_start3A_97] : memref<32x80x2x128xi32, #tpu.memory_space<hbm>> -> memref<1x1x2x128xi32, #tpu.memory_space<hbm>>
          %dma_start3A_99 = tpu.memref_squeeze %dma_start3A_98 : memref<1x1x2x128xi32, #tpu.memory_space<hbm>> -> memref<2x128xi32, #tpu.memory_space<hbm>>
          %dma_start3A_100 = arith.constant 0 : i32
          %dma_start3A_101 = arith.constant 0 : i32
          %dma_start3A_102 = tpu.memref_slice %arg3[%add3A, %add3A_87, %dma_start3A_100, %dma_start3A_101] : memref<32x80x2x128xi32, #tpu.memory_space<hbm>> -> memref<1x1x2x128xi32, #tpu.memory_space<hbm>>
          %dma_start3A_103 = tpu.memref_squeeze %dma_start3A_102 : memref<1x1x2x128xi32, #tpu.memory_space<hbm>> -> memref<2x128xi32, #tpu.memory_space<hbm>>
          tpu.enqueue_dma source(%dma_start3A_103 : memref<2x128xi32, #tpu.memory_space<hbm>>) target(%arg7 : memref<2x128xi32, #tpu.memory_space<vmem>>) target_semaphore(%run_scoped3A_95 : memref<!tpu.dma_semaphore, #tpu.memory_space<semaphore_mem>>)
          %dma_wait3A_104 = arith.constant 0 : i32
          %dma_wait3A_105 = arith.constant 0 : i32
          %dma_wait3A_106 = tpu.memref_slice %arg3[%add3A, %add3A_87, %dma_wait3A_104, %dma_wait3A_105] : memref<32x80x2x128xi32, #tpu.memory_space<hbm>> -> memref<1x1x2x128xi32, #tpu.memory_space<hbm>>
          %dma_wait3A_107 = tpu.memref_squeeze %dma_wait3A_106 : memref<1x1x2x128xi32, #tpu.memory_space<hbm>> -> memref<2x128xi32, #tpu.memory_space<hbm>>
          %dma_wait3A_108 = arith.constant 0 : i32
          %dma_wait3A_109 = arith.constant 0 : i32
          %dma_wait3A_110 = tpu.memref_slice %arg3[%add3A, %add3A_87, %dma_wait3A_108, %dma_wait3A_109] : memref<32x80x2x128xi32, #tpu.memory_space<hbm>> -> memref<1x1x2x128xi32, #tpu.memory_space<hbm>>
          %dma_wait3A_111 = tpu.memref_squeeze %dma_wait3A_110 : memref<1x1x2x128xi32, #tpu.memory_space<hbm>> -> memref<2x128xi32, #tpu.memory_space<hbm>>
          tpu.wait_dma2 semaphore(%run_scoped3A_95 : memref<!tpu.dma_semaphore, #tpu.memory_space<semaphore_mem>>) src(%dma_wait3A_111 : memref<2x128xi32, #tpu.memory_space<hbm>>) dst(%arg7 : memref<2x128xi32, #tpu.memory_space<vmem>>)
          tpu.yield
        }) : () -> ()
        %dma_start3A_88 = arith.constant 0 : i32
        %dma_start3A_89 = arith.constant 0 : i32
        %dma_start3A_90 = tpu.memref_slice %arg7[%dma_start3A_88, %dma_start3A_89] : memref<2x128xi32, #tpu.memory_space<vmem>> -> memref<1x128xi32, #tpu.memory_space<vmem>>
        %dma_start3A_91 = tpu.memref_squeeze %dma_start3A_90 : memref<1x128xi32, #tpu.memory_space<vmem>> -> memref<128xi32, #tpu.memory_space<vmem>>
        %dma_start3A_92 = arith.constant 0 : i32
        %dma_start3A_93 = arith.constant 0 : i32
        %dma_start3A_94 = tpu.memref_slice %arg2[%dma_start3A_92, %dma_start3A_93] : memref<10000x128xf32, #tpu.memory_space<hbm>> -> memref<10000x128xf32, #tpu.memory_space<hbm>>
        tpu.enqueue_indirect_dma source(%dma_start3A_94 : memref<10000x128xf32, #tpu.memory_space<hbm>>) target(%arg9 : memref<128x128xf32, #tpu.memory_space<vmem>>) offsets(%dma_start3A_91 : memref<128xi32, #tpu.memory_space<vmem>>) semaphore(%arg11 : memref<!tpu.dma_semaphore, #tpu.memory_space<semaphore_mem>>)
      } else {
      }
      %dma_wait3A_72 = arith.constant 0 : i32
      %dma_wait3A_73 = arith.constant 0 : i32
      %dma_wait3A_74 = tpu.memref_slice %arg8[%dma_wait3A_72, %dma_wait3A_73] : memref<2x128xi32, #tpu.memory_space<vmem>> -> memref<1x128xi32, #tpu.memory_space<vmem>>
      %dma_wait3A_75 = tpu.memref_squeeze %dma_wait3A_74 : memref<1x128xi32, #tpu.memory_space<vmem>> -> memref<128xi32, #tpu.memory_space<vmem>>
      %dma_wait3A_76 = arith.constant 0 : i32
      %dma_wait3A_77 = arith.constant 0 : i32
      %dma_wait3A_78 = tpu.memref_slice %arg2[%dma_wait3A_76, %dma_wait3A_77] : memref<10000x128xf32, #tpu.memory_space<hbm>> -> memref<10000x128xf32, #tpu.memory_space<hbm>>
      tpu.wait_indirect_dma semaphore(%arg12 : memref<!tpu.dma_semaphore, #tpu.memory_space<semaphore_mem>>) src(%dma_wait3A_78 : memref<10000x128xf32, #tpu.memory_space<hbm>>) dst(%arg10 : memref<128x128xf32, #tpu.memory_space<vmem>>)
      %dma_start3A_79 = arith.constant 1 : i32
      %dma_start3A_80 = arith.constant 0 : i32
      %dma_start3A_81 = tpu.memref_slice %arg8[%dma_start3A_79, %dma_start3A_80] : memref<2x128xi32, #tpu.memory_space<vmem>> -> memref<1x128xi32, #tpu.memory_space<vmem>>
      %dma_start3A_82 = tpu.memref_squeeze %dma_start3A_81 : memref<1x128xi32, #tpu.memory_space<vmem>> -> memref<128xi32, #tpu.memory_space<vmem>>
      %dma_start3A_83 = arith.constant 0 : i32
      %dma_start3A_84 = arith.constant 0 : i32
      %dma_start3A_85 = tpu.memref_slice %arg6[%dma_start3A_83, %dma_start3A_84] : memref<10240x128xf32, #tpu.memory_space<vmem_shared>> -> memref<10240x128xf32, #tpu.memory_space<vmem_shared>>
      tpu.enqueue_indirect_dma source(%arg10 : memref<128x128xf32, #tpu.memory_space<vmem>>) target(%dma_start3A_85 : memref<10240x128xf32, #tpu.memory_space<vmem_shared>>) offsets(%dma_start3A_82 : memref<128xi32, #tpu.memory_space<vmem>>) semaphore(%arg14 : memref<!tpu.dma_semaphore, #tpu.memory_space<semaphore_mem>>) {add = true}
    }
    %scan3A_15 = arith.constant 40 : i32
    %dma_wait3A = arith.constant 1 : i32
    %dma_wait3A_16 = arith.constant 0 : i32
    %dma_wait3A_17 = tpu.memref_slice %arg8[%dma_wait3A, %dma_wait3A_16] : memref<2x128xi32, #tpu.memory_space<vmem>> -> memref<1x128xi32, #tpu.memory_space<vmem>>
    %dma_wait3A_18 = tpu.memref_squeeze %dma_wait3A_17 : memref<1x128xi32, #tpu.memory_space<vmem>> -> memref<128xi32, #tpu.memory_space<vmem>>
    %dma_wait3A_19 = arith.constant 0 : i32
    %dma_wait3A_20 = arith.constant 0 : i32
    %dma_wait3A_21 = tpu.memref_slice %arg6[%dma_wait3A_19, %dma_wait3A_20] : memref<10240x128xf32, #tpu.memory_space<vmem_shared>> -> memref<10240x128xf32, #tpu.memory_space<vmem_shared>>
    tpu.wait_indirect_dma semaphore(%arg14 : memref<!tpu.dma_semaphore, #tpu.memory_space<semaphore_mem>>) src(%arg10 : memref<128x128xf32, #tpu.memory_space<vmem>>) dst(%dma_wait3A_21 : memref<10240x128xf32, #tpu.memory_space<vmem_shared>>)
    %barrier3A_22 = arith.constant 0 : index
    tpu.barrier barrier_id(%barrier3A_22)
    %mul3A_23 = arith.constant 640 : i32
    %mul3A_24 = arith.muli %arg1, %mul3A_23 : i32
    %mul3A_25 = arith.constant 640 : i32
    %mul3A_26 = arith.muli %arg1, %mul3A_25 : i32
    "tpu.region"() ({
      %run_scoped3A_27 = tpu.sem_alloc : memref<!tpu.dma_semaphore, #tpu.memory_space<semaphore_mem>>
      %dma_start3A_28 = arith.constant 0 : i32
      %dma_start3A_29 = tpu.memref_slice %arg5[%arg0, %mul3A_26, %dma_start3A_28] : memref<2x10240x128xf32, #tpu.memory_space<hbm>> -> memref<1x640x128xf32, #tpu.memory_space<hbm>>
      %dma_start3A_30 = tpu.memref_squeeze %dma_start3A_29 : memref<1x640x128xf32, #tpu.memory_space<hbm>> -> memref<640x128xf32, #tpu.memory_space<hbm>>
      %dma_start3A_31 = arith.constant 0 : i32
      %dma_start3A_32 = tpu.memref_slice %arg6[%mul3A_24, %dma_start3A_31] : memref<10240x128xf32, #tpu.memory_space<vmem_shared>> -> memref<640x128xf32, #tpu.memory_space<vmem_shared>>
      tpu.enqueue_dma source(%dma_start3A_32 : memref<640x128xf32, #tpu.memory_space<vmem_shared>>) target(%dma_start3A_30 : memref<640x128xf32, #tpu.memory_space<hbm>>) target_semaphore(%run_scoped3A_27 : memref<!tpu.dma_semaphore, #tpu.memory_space<semaphore_mem>>)
      %dma_wait3A_33 = arith.constant 0 : i32
      %dma_wait3A_34 = tpu.memref_slice %arg5[%arg0, %mul3A_26, %dma_wait3A_33] : memref<2x10240x128xf32, #tpu.memory_space<hbm>> -> memref<1x640x128xf32, #tpu.memory_space<hbm>>
      %dma_wait3A_35 = tpu.memref_squeeze %dma_wait3A_34 : memref<1x640x128xf32, #tpu.memory_space<hbm>> -> memref<640x128xf32, #tpu.memory_space<hbm>>
      %dma_wait3A_36 = arith.constant 0 : i32
      %dma_wait3A_37 = tpu.memref_slice %arg6[%mul3A_24, %dma_wait3A_36] : memref<10240x128xf32, #tpu.memory_space<vmem_shared>> -> memref<640x128xf32, #tpu.memory_space<vmem_shared>>
      tpu.wait_dma2 semaphore(%run_scoped3A_27 : memref<!tpu.dma_semaphore, #tpu.memory_space<semaphore_mem>>) src(%dma_wait3A_37 : memref<640x128xf32, #tpu.memory_space<vmem_shared>>) dst(%dma_wait3A_35 : memref<640x128xf32, #tpu.memory_space<hbm>>)
      tpu.yield
    }) : () -> ()
    return
  }
}

module attributes {stable_mosaic.version = 14 : i64} {
  func.func @_mm_body(%arg0: memref<10000x128xf32, #tpu.memory_space<vmem>>, %arg1: memref<128x128xf32, #tpu.memory_space<vmem>>, %arg2: memref<10000x128xf32, #tpu.memory_space<vmem>>) attributes {dimension_semantics = [], scalar_prefetch = 0 : i64, scratch_operands = 0 : i64, tpu.core_type = #tpu.core_type<tc>} {
    %get3A = arith.constant 0 : index
    %get3A_0 = arith.constant 0 : index
    %get3A_1 = vector.load %arg0[%get3A, %get3A_0] : memref<10000x128xf32, #tpu.memory_space<vmem>>, vector<10000x128xf32>
    %get3A_2 = arith.constant 0 : index
    %get3A_3 = arith.constant 0 : index
    %get3A_4 = vector.load %arg1[%get3A_2, %get3A_3] : memref<128x128xf32, #tpu.memory_space<vmem>>, vector<128x128xf32>
    %dot_general3A = arith.constant dense<0.000000e+00> : vector<10000x128xf32>
    %dot_general3A_5 = tpu.matmul %get3A_1, %get3A_4, %dot_general3A {dimension_numbers = #tpu.dot_dimension_numbers<[1], [0], [0], [1], [0, 0, 1, 1], [], []>, transpose_lhs_hint = false} : vector<10000x128xf32>, vector<128x128xf32>, vector<10000x128xf32> -> vector<10000x128xf32>
    %swap3A = arith.constant 0 : index
    %swap3A_6 = arith.constant 0 : index
    %swap3A_7 = vector.load %arg2[%swap3A, %swap3A_6] : memref<10000x128xf32, #tpu.memory_space<vmem>>, vector<10000x128xf32>
    tpu.vector_store %arg2[%swap3A, %swap3A_6], %dot_general3A_5 {strides = array<i32>} : memref<10000x128xf32, #tpu.memory_space<vmem>>, vector<10000x128xf32>,
    return
  }
}

module attributes {stable_mosaic.version = 14 : i64} {
  func.func @_fuse_body(%arg0: memref<2x10240x128xf32, #tpu.memory_space<vmem>>, %arg1: memref<1x128xf32, #tpu.memory_space<vmem>>, %arg2: memref<128x128xf32, #tpu.memory_space<vmem>>, %arg3: memref<10000x128xf32, #tpu.memory_space<vmem>>) attributes {dimension_semantics = [], scalar_prefetch = 0 : i64, scratch_operands = 0 : i64, tpu.core_type = #tpu.core_type<tc>} {
    %get3A = arith.constant 0 : index
    %get3A_0 = arith.constant 0 : index
    %get3A_1 = arith.constant 0 : index
    %get3A_2 = vector.load %arg0[%get3A, %get3A_0, %get3A_1] : memref<2x10240x128xf32, #tpu.memory_space<vmem>>, vector<1x10000x128xf32>
    %get3A_3 = vector.shape_cast %get3A_2 : vector<1x10000x128xf32> to vector<10000x128xf32>
    %get3A_4 = arith.constant 1 : index
    %get3A_5 = arith.constant 0 : index
    %get3A_6 = arith.constant 0 : index
    %get3A_7 = vector.load %arg0[%get3A_4, %get3A_5, %get3A_6] : memref<2x10240x128xf32, #tpu.memory_space<vmem>>, vector<1x10000x128xf32>
    %get3A_8 = vector.shape_cast %get3A_7 : vector<1x10000x128xf32> to vector<10000x128xf32>
    %add3A = arith.addf %get3A_3, %get3A_8 : vector<10000x128xf32>
    %get3A_9 = arith.constant 0 : index
    %get3A_10 = arith.constant 0 : index
    %get3A_11 = vector.load %arg1[%get3A_9, %get3A_10] : memref<1x128xf32, #tpu.memory_space<vmem>>, vector<1x128xf32>
    %add3A_12 = vector.broadcast %get3A_11 : vector<1x128xf32> to vector<10000x128xf32>
    %add3A_13 = arith.addf %add3A, %add3A_12 : vector<10000x128xf32>
    %gt3A = arith.constant 0.000000e+00 : f32
    %gt3A_14 = vector.broadcast %gt3A : f32 to vector<10000x128xf32>
    %gt3A_15 = arith.cmpf ogt, %add3A_13, %gt3A_14 : vector<10000x128xf32>
    %exp3A = math.exp %add3A_13 : vector<10000x128xf32>
    %sub3A = arith.constant 1.000000e+00 : f32
    %sub3A_16 = vector.broadcast %sub3A : f32 to vector<10000x128xf32>
    %sub3A_17 = arith.subf %exp3A, %sub3A_16 : vector<10000x128xf32>
    %select_n3A = arith.select %gt3A_15, %add3A_13, %sub3A_17 : vector<10000x128xi1>, vector<10000x128xf32>
    %get3A_18 = arith.constant 0 : index
    %get3A_19 = arith.constant 0 : index
    %get3A_20 = vector.load %arg2[%get3A_18, %get3A_19] : memref<128x128xf32, #tpu.memory_space<vmem>>, vector<128x128xf32>
    %dot_general3A = arith.constant dense<0.000000e+00> : vector<10000x128xf32>
    %dot_general3A_21 = tpu.matmul %select_n3A, %get3A_20, %dot_general3A {dimension_numbers = #tpu.dot_dimension_numbers<[1], [0], [0], [1], [0, 0, 1, 1], [], []>, transpose_lhs_hint = false} : vector<10000x128xf32>, vector<128x128xf32>, vector<10000x128xf32> -> vector<10000x128xf32>
    %swap3A = arith.constant 0 : index
    %swap3A_22 = arith.constant 0 : index
    %swap3A_23 = vector.load %arg3[%swap3A, %swap3A_22] : memref<10000x128xf32, #tpu.memory_space<vmem>>, vector<10000x128xf32>
    tpu.vector_store %arg3[%swap3A, %swap3A_22], %dot_general3A_21 {strides = array<i32>} : memref<10000x128xf32, #tpu.memory_space<vmem>>, vector<10000x128xf32>,
    return
  }
}

module attributes {stable_mosaic.version = 14 : i64} {
  func.func @_head_body(%arg0: memref<2x10240x128xf32, #tpu.memory_space<vmem>>, %arg1: memref<1x128xf32, #tpu.memory_space<vmem>>, %arg2: memref<128x128xf32, #tpu.memory_space<vmem>>, %arg3: memref<1x128xf32, #tpu.memory_space<vmem>>, %arg4: memref<1x128xf32, #tpu.memory_space<vmem>>) attributes {dimension_semantics = [], scalar_prefetch = 0 : i64, scratch_operands = 0 : i64, tpu.core_type = #tpu.core_type<tc>} {
    %get3A = arith.constant 0 : index
    %get3A_0 = arith.constant 0 : index
    %get3A_1 = arith.constant 0 : index
    %get3A_2 = vector.load %arg0[%get3A, %get3A_0, %get3A_1] : memref<2x10240x128xf32, #tpu.memory_space<vmem>>, vector<1x10000x128xf32>
    %get3A_3 = vector.shape_cast %get3A_2 : vector<1x10000x128xf32> to vector<10000x128xf32>
    %get3A_4 = arith.constant 1 : index
    %get3A_5 = arith.constant 0 : index
    %get3A_6 = arith.constant 0 : index
    %get3A_7 = vector.load %arg0[%get3A_4, %get3A_5, %get3A_6] : memref<2x10240x128xf32, #tpu.memory_space<vmem>>, vector<1x10000x128xf32>
    %get3A_8 = vector.shape_cast %get3A_7 : vector<1x10000x128xf32> to vector<10000x128xf32>
    %add3A = arith.addf %get3A_3, %get3A_8 : vector<10000x128xf32>
    %get3A_9 = arith.constant 0 : index
    %get3A_10 = arith.constant 0 : index
    %get3A_11 = vector.load %arg1[%get3A_9, %get3A_10] : memref<1x128xf32, #tpu.memory_space<vmem>>, vector<1x128xf32>
    %add3A_12 = vector.broadcast %get3A_11 : vector<1x128xf32> to vector<10000x128xf32>
    %add3A_13 = arith.addf %add3A, %add3A_12 : vector<10000x128xf32>
    %gt3A = arith.constant 0.000000e+00 : f32
    %gt3A_14 = vector.broadcast %gt3A : f32 to vector<10000x128xf32>
    %gt3A_15 = arith.cmpf ogt, %add3A_13, %gt3A_14 : vector<10000x128xf32>
    %exp3A = math.exp %add3A_13 : vector<10000x128xf32>
    %sub3A = arith.constant 1.000000e+00 : f32
    %sub3A_16 = vector.broadcast %sub3A : f32 to vector<10000x128xf32>
    %sub3A_17 = arith.subf %exp3A, %sub3A_16 : vector<10000x128xf32>
    %select_n3A = arith.select %gt3A_15, %add3A_13, %sub3A_17 : vector<10000x128xi1>, vector<10000x128xf32>
    %reduce_sum3A = arith.constant dense<0.000000e+00> : vector<128xf32>
    %reduce_sum3A_18 = vector.multi_reduction <add>, %select_n3A, %reduce_sum3A [0] : vector<10000x128xf32> to vector<128xf32>
    %broadcast_in_dim3A = vector.shape_cast %reduce_sum3A_18 : vector<128xf32> to vector<1x128xf32>
    %mul3A = arith.constant 9.99999974E-5 : f32
    %mul3A_19 = vector.broadcast %mul3A : f32 to vector<1x128xf32>
    %mul3A_20 = arith.mulf %broadcast_in_dim3A, %mul3A_19 : vector<1x128xf32>
    %get3A_21 = arith.constant 0 : index
    %get3A_22 = arith.constant 0 : index
    %get3A_23 = vector.load %arg2[%get3A_21, %get3A_22] : memref<128x128xf32, #tpu.memory_space<vmem>>, vector<128x128xf32>
    %dot_general3A = arith.constant dense<0.000000e+00> : vector<1x128xf32>
    %dot_general3A_24 = tpu.matmul %mul3A_20, %get3A_23, %dot_general3A {dimension_numbers = #tpu.dot_dimension_numbers<[1], [0], [0], [1], [0, 0, 1, 1], [], []>, transpose_lhs_hint = false} : vector<1x128xf32>, vector<128x128xf32>, vector<1x128xf32> -> vector<1x128xf32>
    %get3A_25 = arith.constant 0 : index
    %get3A_26 = arith.constant 0 : index
    %get3A_27 = vector.load %arg3[%get3A_25, %get3A_26] : memref<1x128xf32, #tpu.memory_space<vmem>>, vector<1x128xf32>
    %add3A_28 = arith.addf %dot_general3A_24, %get3A_27 : vector<1x128xf32>
    %swap3A = arith.constant 0 : index
    %swap3A_29 = arith.constant 0 : index
    %swap3A_30 = vector.load %arg4[%swap3A, %swap3A_29] : memref<1x128xf32, #tpu.memory_space<vmem>>, vector<1x128xf32>
    tpu.vector_store %arg4[%swap3A, %swap3A_29], %add3A_28 {strides = array<i32>} : memref<1x128xf32, #tpu.memory_space<vmem>>, vector<1x128xf32>,
    return
  }
}

</mosaic_0001>

<sc_bundles>
// kernel: kernel.12.cloned.1.call-start
scs
__scs_entry_jumppad:
0x0: {  	(pc) =	sbr.rel $0x88, $3  }
0x1: {  	(tag) =	ssettag $0x0;
	lr =	simm.s32 $0x1  }
0x2: {  	[smem:$0x3F97] =	sst lr;
	_ =	strace $0xD0000000  }
0x3: {  	_ = 	snop  }
0x4: {  	_ = 	snop  }
0x5: {  	_ = 	snop  }
0x6: {  	_ = 	snop  }
0x7: {  	_ = 	snop  }
__scs_overlays_trampoline_lowered:
0x8: {  	[smem:$0x3FA6] =	sst s0  }
0x9: {  	[smem:$0x3FA7] =	sst s1  }
0xa: {  	[smem:$0x3FA8] =	sst s2  }
0xb: {  	[smem:$0x3FA9] =	sst s3  }
0xc: {  	[smem:$0x3FAA] =	sst s4  }
0xd: {  	[smem:$0x3FAB] =	sst s5  }
0xe: {  	[smem:$0x3FAC] =	sst s6  }
0xf: {  	[smem:$0x3FAD] =	sst s7  }
0x10: {  	[smem:$0x3FAE] =	sst s8  }
0x11: {  	[smem:$0x3FAF] =	sst s9;
	s0 =	simm.s32 @!p0 $0x0  }
0x12: {  	s1 =	sld [smem:$0x3F95];
	s0 =	simm.s32 @p0 $0x1  }
0x13: {  	[smem:$0x3FB0] =	sst s0;
	s0 =	simm.s32 @!p1 $0x0  }
0x14: {  	s2 =	sld [smem:$0x3F94];
	s0 =	simm.s32 @p1 $0x1  }
0x15: {  	[smem:$0x3FB1] =	sst s0;
	s0 =	simm.s32 @!p2 $0x0  }
0x16: {  	s3 =	sld [smem:$0x3FDB];
	s0 =	simm.s32 @p2 $0x1  }
0x17: {  	s4 =	simm.s32 $0x1BF5;
	[smem:$0x3FB3] =	sst s0  }
0x18: {  	s0 =	sld [smem:$0x3F96];
	_ =	swait.ge [sflag:s4], $0x0  }
0x19: {  	s7 =	sld [smem:$0x3F97]  }
0x1a: {  	s8 =	sadd.s32 $0xFFFFE003, lr  }
0x1b: {  	s9 =	sadd.s32 $0xFFFFFEF7, lr;
	s5 =	simm.s32 $0xFFFFFFFF;
	p2 =	slt.u32 s8, $0xFFFFF086  }
0x1c: {  	p1 =	slt.u32 s9, $0xF7A;
	s5 =	simm.s32 @!p2 $0x0  }
0x1d: {  	s5 =	simm.s32 @p1 $0x1;
	p0 =	seq.s32 s7, s2  }
0x1e: {  	s7 =	smul.u32 @!p0 $0xF7A, s2;
	p2 =	seq.s32 @!p0 s5, $0x0  }
0x1f: {  	s9 =	smul.u32 $0xF7A, s1;
	s8 =	simm.s32 @!p0 $0x1BF5;
	p2 =	por !p2, p0  }
0x20: {  	[sflag:s8] =	ssyncset.s32 @!p0 $0xFFFFF086;
	s6 =	sadd.s32 @!p0 s3, s7;
	s7 =	simm.s32 @!p0 $0x108  }
0x21: {  	s3 =	sadd.s32 s3, s9;
	s6 =	sadd.s32 @!p0 $0x88, s6;
	s7 =	simm.s32 @p2 $0x1082  }
0x22: {  	[simem:s7], [sflag:s8] =	dma.local @!p0 [hbm:s6], $0xF7A  }
0x23: {  	s9 =	sor.u32 $0xD0000000, s2;
	s6 =	simm.s32 $0x108;
	_ =	swait.ge @!p0 [sflag:s8], $0x0  }
0x24: {  	s3 =	sadd.s32 $0x88, s3;
	s6 =	simm.s32 @!p1 $0x1082;
	[sflag:s4] =	ssyncset.s32 $0xFFFFF086  }
0x25: {  	[simem:s6], [sflag:s4] =	dma.local [hbm:s3], $0xF7A  }
0x26: {  	[smem:$0x3F97] =	sst s1;
	(tag) =	ssettag s2;
	_ =	strace s9  }
0x27: {  	s1 =	sld [smem:$0x3FA7]  }
0x28: {  	s2 =	sld [smem:$0x3FA8]  }
0x29: {  	s4 =	sld [smem:$0x3FAA]  }
0x2a: {  	p0 =	seq.s32 s5, $0x0;
	s5 =	sld [smem:$0x3FAB]  }
0x2b: {  	s6 =	sld [smem:$0x3FAC]  }
0x2c: {  	s7 =	sld [smem:$0x3FAD]  }
0x2d: {  	s3 =	simm.s32 $0x108;
	s8 =	sld [smem:$0x3FAE]  }
0x2e: {  	s3 =	simm.s32 @!p0 $0x1082;
	s9 =	sld [smem:$0x3FAF]  }
0x2f: {  	lr =	sadd.s32 s0, s3;
	s0 =	sld [smem:$0x3FA6]  }
0x30: {  	s3 =	sld [smem:$0x3FA9]  }
0x31: {  	[smem:$0x3FB2] =	sst s10  }
0x32: {  	s10 =	sld [smem:$0x3FB0];
	_ =	sdelay $0x3  }
0x33: {  	p0 =	seq.s32 s10, $0x1;
	s10 =	sld [smem:$0x3FB2];
	_ =	sdelay $0x3  }
0x34: {  	[smem:$0x3FB2] =	sst s10  }
0x35: {  	s10 =	sld [smem:$0x3FB1];
	_ =	sdelay $0x3  }
0x36: {  	p1 =	seq.s32 s10, $0x1;
	s10 =	sld [smem:$0x3FB2];
	_ =	sdelay $0x3  }
0x37: {  	[smem:$0x3FB2] =	sst s10  }
0x38: {  	s10 =	sld [smem:$0x3FB3]  }
0x39: {  	_ = 	snop;
	(pc) =	sbr.ind lr, $3  }
0x3a: {  	_ = 	snop  }
0x3b: {  	_ = 	snop  }
0x3c: {  	p2 =	seq.s32 s10, $0x1;
	s10 =	sld [smem:$0x3FB2]  }
0x3d: {  	_ =	shalt  }
0x3e: {  	_ =	shalt  }
0x3f: {  	_ =	shalt  }
0x40: {  	_ =	shalt  }
0x41: {  	_ =	shalt  }
0x42: {  	_ =	shalt  }
0x43: {  	_ =	shalt  }
0x44: {  	_ =	shalt  }
0x45: {  	_ =	shalt  }
0x46: {  	_ =	shalt  }
0x47: {  	_ =	shalt  }
0x48: {  	_ =	shalt  }
0x49: {  	_ =	shalt  }
0x4a: {  	_ =	shalt  }
0x4b: {  	_ =	shalt  }
0x4c: {  	_ =	shalt  }
0x4d: {  	_ =	shalt  }
0x4e: {  	_ =	shalt  }
0x4f: {  	_ =	shalt  }
0x50: {  	_ =	shalt  }
0x51: {  	_ =	shalt  }
0x52: {  	_ =	shalt  }
0x53: {  	_ =	shalt  }
0x54: {  	_ =	shalt  }
0x55: {  	_ =	shalt  }
0x56: {  	_ =	shalt  }
0x57: {  	_ =	shalt  }
0x58: {  	_ =	shalt  }
0x59: {  	_ =	shalt  }
0x5a: {  	_ =	shalt  }
0x5b: {  	_ =	shalt  }
0x5c: {  	_ =	shalt  }
0x5d: {  	_ =	shalt  }
0x5e: {  	_ =	shalt  }
0x5f: {  	_ =	shalt  }
0x60: {  	_ =	shalt  }
0x61: {  	_ =	shalt  }
0x62: {  	_ =	shalt  }
0x63: {  	_ =	shalt  }
0x64: {  	_ =	shalt  }
0x65: {  	_ =	shalt  }
0x66: {  	_ =	shalt  }
0x67: {  	_ =	shalt  }
0x68: {  	_ =	shalt  }
0x69: {  	_ =	shalt  }
0x6a: {  	_ =	shalt  }
0x6b: {  	_ =	shalt  }
0x6c: {  	_ =	shalt  }
0x6d: {  	_ =	shalt  }
0x6e: {  	_ =	shalt  }
0x6f: {  	_ =	shalt  }
0x70: {  	_ =	shalt  }
0x71: {  	_ =	shalt  }
0x72: {  	_ =	shalt  }
0x73: {  	_ =	shalt  }
0x74: {  	_ =	shalt  }
0x75: {  	_ =	shalt  }
0x76: {  	_ =	shalt  }
0x77: {  	_ =	shalt  }
0x78: {  	_ =	shalt  }
0x79: {  	_ =	shalt  }
0x7a: {  	_ =	shalt  }
0x7b: {  	_ =	shalt  }
0x7c: {  	_ =	shalt  }
0x7d: {  	_ =	shalt  }
0x7e: {  	_ =	shalt  }
0x7f: {  	_ =	shalt  }
0x80: {  	_ =	shalt  }
0x81: {  	_ =	shalt  }
0x82: {  	_ =	shalt  }
0x83: {  	_ =	shalt  }
0x84: {  	_ =	shalt  }
0x85: {  	_ =	shalt  }
0x86: {  	_ =	shalt  }
0x87: {  	_ =	shalt  }
.Lfunc_end0:
.L_simem_size_0:
called_computation.1_lowered:
.L_overlay_start_0:
0x88: {  	s2 =	sld [smem:$0x3FD9]  }
0x89: {  	s3 =	sld [smem:$0x3FFE];
	_ =	sdelay $0x1  }
0x8a: {  	s1 =	srdreg.scid  }
0x8b: {  	s0 =	sand.u32 $0x1, s1  }
0x8c: {  	s16 =	sshll.u32 s0, $0xA;
	s2 =	sadd.s32 s3, s2  }
0x8d: {  	s2 =	sadd.s32 s2, s16  }
0x8e: {  	[smem:$0x3FBE] =	sst s2  }
0x8f: {  	_ = 	snop  }
0x90: {  	(tm) =	ssettm $0x1  }
0x91: {  	s17 =	sld [smem:$0x3FFB];
	_ =	sdelay $0x3  }
0x92: {  	_ =	strace s17  }
0x93: {  	s2 =	sld [smem:$0x3FFC];
	_ =	sdelay $0x3  }
0x94: {  	_ =	strace s2  }
0x95: {  	s2 =	sld [smem:$0x3FFD];
	_ =	sdelay $0x3  }
0x96: {  	_ =	strace s2  }
0x97: {  	_ =	strace $0x8FFFFFFF  }
0x98: {  	s18 =	sld [smem:$0x3FDB];
	_ =	sdelay $0x1  }
0x99: {  	s19 =	simm.s32 $_scs_section_size  }
0x9a: {  	s4 =	simm.s32 $_size__tile_overlayer_lowered;
	s5 =	simm.s32 $_tile_overlayer_lowered  }
0x9b: {  	s22 =	simm.s32 $0x1BFF;
	s21 =	sshll.u32 s5, $0x1;
	s2 =	sadd.s32 s19, s18  }
0x9c: {  	s6 =	simm.s32 $0x0;
	s20 =	sshll.u32 s4, $0x1;
	s4 =	sadd.s32 s21, s2  }
0x9d: {  	[timem:s6], [sflag:s22] =	dma.local [hbm:s4], s20  }
0x9e: {  	_ =	swait.ge [sflag:s22], s20  }
0x9f: {  	s3 =	ssub.s32 $0x0, s20;
	[sflag:s22] =	ssyncset.done $0x0  }
0xa0: {  	[sflag:s22] =	ssyncadd.s32 s3;
	_ =	sdelay $0x1  }
0xa1: {  	s23 =	simm.s32 $0x1B8B  }
0xa2: {  	_ =	swait.ge [sflag:s23], $0x1  }
0xa3: {  	[sflag:s23] =	ssyncset.done $0x0  }
0xa4: {  	s25 =	simm.s32 $0x1B8E;
	s24 =	sld [smem:$0x3FFE];
	[sflag:s23] =	ssyncadd.s32 $0xFFFFFFFF  }
0xa5: {  	s26 =	simm.s32 $execute0_lowered;
	[smem:$0x3FD2] =	sst s25  }
0xa6: {  	s4 =	sshll.u32 s26, $0x1;
	_ =	strace $0x80000049;
	[dreg:$0x1] =	wrdreg $0xFFFFFFFF  }
0xa7: {  	s28 =	simm.s32 $_size_execute0_lowered;
	s2 =	sadd.s32 s2, s4;
	[dreg:$0x0] =	wrdreg $0x0  }
0xa8: {  	s4 =	sshll.u32 s28, $0x1;
	[dreg:$0x2] =	wrdreg s2  }
0xa9: {  	[dreg:$0x3] =	wrdreg s4  }
0xaa: {  	[dreg:$0x4] =	wrdreg $0xC0  }
0xab: {  	_ =	task [dreg:s6], $0x5FFFF  }
0xac: {  	[dreg:$0x1] =	wrdreg $0xFFFFFFFF  }
0xad: {  	[dreg:$0x0] =	wrdreg $0x60  }
0xae: {  	[dreg:$0x2] =	wrdreg s24  }
0xaf: {  	[dreg:$0x3] =	wrdreg $0x0  }
0xb0: {  	[dreg:$0x4] =	wrdreg $0x9  }
0xb1: {  	_ =	task.clear_ibuf [dreg:s6], $0x5FFFF;
	_ =	strace $0x90000049  }
0xb2: {  	s29 =	simm.s32 $0x9;
	_ =	strace $0x8000004B  }
0xb3: {  	_ =	swait.ge [sflag:s29], $0x1  }
0xb4: {  	[sflag:s29] =	ssyncadd.s32 $0xFFFFFFFF  }
0xb5: {  	_ =	strace $0x9000004B  }
0xb6: {  	_ =	sfence  }
0xb7: {  	s30 =	sld [smem:$0x0];
	_ =	sdelay $0x2  }
0xb8: {  	s31 =	sshll.u32 s1, $0xD;
	s1 =	sshrl.u32 s1, $0x2  }
0xb9: {  	s3 =	sand.u32 $0x4000, s31;
	s1 =	sadd.s32 s1, s30  }
0xba: {  	s0 =	sor.u32 s3, s0;
	s1 =	sshll.u32 s1, $0x11  }
0xbb: {  	s0 =	sor.u32 s1, s0  }
0xbc: {  	s0 =	sadd.s32 $0x8F2B, s0  }
0xbd: {  	[sflag:s0] =	ssyncadd.remote.s32 $0x1  }
0xbe: {  	_ =	sfence.sel $0xFFFF  }
0xbf: {  	[dreg:$0x0] =	wrdreg $0xFFFFFFFF;
	(pc) =	sbr.abs _section_cstart, $3  }
0xc0: {  	[dreg:$0x1] =	wrdreg $0xFFFFFFFF  }
0xc1: {  	_ =	task.clear_ibuf [dreg:s6], $0x2FFFF;
	_ =	strace $0x9FFFFFFF  }
0xc2: {  	(tm) =	ssettm $0x7FFFFFFF  }
0xc3: {  	_ =	shalt  }
tec
execute0_lowered:
.L_overlay_start_1:
0x0: {  	(tag) =	ssettag $0x1  }
0x1: {  	s5 =	rddreg [dreg:$0x0]  }
0x2: {  	s2 =	rddreg [dreg:$0x1];
	s1 =	stileid.u32  }
0x3: {  	s4 =	srdreg.scid;
	s3 =	simm.s32 $0x0;
	s28 =	simm.s32 $0x4  }
0x4: {  	s29 =	simm.s32 $0x0;
	s6 =	smul.u32 $0x14000, s1;
	s7 =	sand.u32 $0x1, s4  }
0x5: {  	[smem:$0x7FF] =	sst s3;
	s4 =	sadd.s32 $0x16800, s5;
	s17 =	smul.u32 $0x50000, s1  }
0x6: {  	s14 =	sadd.s32 $0x2800, s5;
	s21 =	sshll.u32 s1, $0x6;
	s16 =	smul.u32 $0x5000, s1  }
0x7: {  	s8 =	smul.u32 $0x140000, s7;
	_ =	strace $0x8000004A;
	s10 =	sshll.u32 s7, $0x4  }
0x8: {  	s18 =	ssub.s32 $0x2, s7;
	s13 =	smul.u32 $0x50000, s7;
	s9 =	sshrl.u32 s6, $0x3  }
0x9: {  	s19 =	sor.u32 s1, s10;
	s20 =	sshrl.u32 s18, $0x1;
	s9 =	sadd.s32 s9, s5  }
0xa: {  	s6 =	sadd.s32 s6, s8;
	s8 =	sshrl.u32 s17, $0x2;
	s12 =	smul.u32 $0x5000, s19  }
0xb: {  	s10 =	ssub.s32 s18, s20;
	s13 =	sadd.s32 s16, s13;
	s16 =	simm.s32 $0x5  }
0xc: {  	s18 =	simm.s32 $0x80;
	s19 =	simm.s32 $0x14200;
	s20 =	simm.s32 $0x14100  }
0xd: {  	s6 =	sshrl.u32 s6, $0x3;
	s15 =	sadd.s32 s8, s2;
	s25 =	sor.u32 $0x400, s13  }
0xe: {  	s30 =	sor.u32 $0x300, s13;
	s11 =	sadd.s32 s6, s5;
	s5 =	sadd.s32 $0x3DA00, s9  }
0xf: {  	s22 =	sshrl.u32 s12, $0x3;
	s6 =	sor.u32 $0x1C05, s21;
	s17 =	sor.u32 $0x100, s12  }
0x10: {  	s12 =	sor.u32 $0x200, s12;
	s9 =	smax.u32 s10, $0x1;
	s26 =	sshrl.u32 s25, $0x3  }
0x11: {  	s31 =	sshrl.u32 s30, $0x3;
	s15 =	sshrl.u32 s15, $0x3;
	s21 =	simm.s32 $0x18200  }
0x12: {  	s25 =	simm.s32 $0x2;
	s7 =	sadd.s32 s14, s22;
	s8 =	sadd.s32 $0x65A00, s11  }
0x13: {  	s23 =	sshrl.u32 s17, $0x3;
	s24 =	sshrl.u32 s12, $0x3;
	s13 =	sadd.s32 s26, s14  }
0x14: {  	s17 =	simm.s32 $0x14000;
	s22 =	simm.s32 $0x1;
	s26 =	simm.s32 $0x14180  }
0x15: {  	s10 =	sadd.s32 s14, s23;
	s11 =	sadd.s32 s14, s24;
	s12 =	sadd.s32 $0x9E0, s7  }
0x16: {  	s14 =	sadd.s32 s31, s14;
	s23 =	simm.s32 $0x14080;
	s24 =	simm.s32 $0x3  }
.LBB2_1:
0x17: {  	[spmem:s15], [sflag:s6] =	dma.local [hbm:s5], $0x2800  }
0x18: {  	_ =	swait.ge [sflag:s16], $0x2800  }
0x19: {  	[sflag:s16] =	ssyncset.done $0x0  }
0x1a: {  	[sflag:s16] =	ssyncadd.s32 $0xFFFFD800  }
0x1b: {  	[bflag:$0x0] =	sbarrier.arrive $0xFFFF  }
0x1c: {  	[tilespmem:s17], [sflag:$0x5] =	stream.linear.gather [hbm4b:s7+s3], $0x100, $0x38;
	[tilespmem:$0x1C200] =	vst v63  }
0x1d: {  	_ =	swait.ge [sflag:s16], $0x100  }
0x1e: {  	[sflag:s16] =	ssyncset.done $0x0  }
0x1f: {  	[sflag:s16] =	ssyncadd.s32 $0xFFFFFF00  }
0x20: {  	[tilespmem:s19], [sflag:$0x1] =	stream.indirect.gather [hbm4b:s4+s18], $0x80, s17, s18, $0xb8;
	[tilespmem:$0x1C200] =	vst v63  }
0x21: {  	_ = 	snop  }
0x22: {  	[tilespmem:s20], [sflag:$0x5] =	stream.linear.gather [hbm4b:s10+s3], $0x100, $0x38;
	[tilespmem:$0x1C200] =	vst v63  }
0x23: {  	_ =	swait.ge [sflag:s16], $0x100  }
0x24: {  	[sflag:s16] =	ssyncset.done $0x0  }
0x25: {  	[sflag:s16] =	ssyncadd.s32 $0xFFFFFF00  }
0x26: {  	[tilespmem:s21], [sflag:$0x2] =	stream.indirect.gather [hbm4b:s4+s18], $0x80, s20, s18, $0xb8;
	[tilespmem:$0x1C200] =	vst v63  }
0x27: {  	_ =	swait.ge [sflag:s22], $0x4000  }
0x28: {  	[sflag:s22] =	ssyncset.done $0x0  }
0x29: {  	[sflag:s22] =	ssyncadd.s32 $0xFFFFC000  }
0x2a: {  	[spmem:s2] =	stream.indirect.scatter.add.f32 [tilespmem:s19], [sflag:$0x3], $0x80, s23, s18, $0xb8;
	[tilespmem:$0x1C200] =	vst v63  }
0x2b: {  	_ =	swait.ge [sflag:s24], $0x4000  }
0x2c: {  	[sflag:s24] =	ssyncset.done $0x0  }
0x2d: {  	[sflag:s24] =	ssyncadd.s32 $0xFFFFC000  }
0x2e: {  	[tilespmem:s17], [sflag:$0x5] =	stream.linear.gather [hbm4b:s11+s3], $0x100, $0x38;
	[tilespmem:$0x1C200] =	vst v63  }
0x2f: {  	_ =	swait.ge [sflag:s16], $0x100  }
0x30: {  	[sflag:s16] =	ssyncset.done $0x0  }
0x31: {  	[sflag:s16] =	ssyncadd.s32 $0xFFFFFF00  }
0x32: {  	[tilespmem:s19], [sflag:$0x1] =	stream.indirect.gather [hbm4b:s4+s18], $0x80, s17, s18, $0xb8;
	[tilespmem:$0x1C200] =	vst v63  }
0x33: {  	_ =	swait.ge [sflag:s25], $0x4000  }
0x34: {  	[sflag:s25] =	ssyncset.done $0x0  }
0x35: {  	[sflag:s25] =	ssyncadd.s32 $0xFFFFC000  }
0x36: {  	[spmem:s2] =	stream.indirect.scatter.add.f32 [tilespmem:s21], [sflag:$0x4], $0x80, s26, s18, $0xb8;
	[tilespmem:$0x1C200] =	vst v63  }
0x37: {  	_ =	swait.ge [sflag:s28], $0x4000  }
0x38: {  	[sflag:s28] =	ssyncset.done $0x0  }
0x39: {  	s30 =	sadd.s32 $0x0, s14;
	[sflag:s28] =	ssyncadd.s32 $0xFFFFC000  }
0x3a: {  	[tilespmem:s20], [sflag:$0x5] =	stream.linear.gather [hbm4b:s30+s3], $0x100, $0x38;
	[tilespmem:$0x1C200] =	vst v63  }
0x3b: {  	_ =	swait.ge [sflag:s16], $0x100  }
0x3c: {  	[sflag:s16] =	ssyncset.done $0x0  }
0x3d: {  	[sflag:s16] =	ssyncadd.s32 $0xFFFFFF00  }
0x3e: {  	[tilespmem:s21], [sflag:$0x2] =	stream.indirect.gather [hbm4b:s4+s18], $0x80, s20, s18, $0xb8;
	[tilespmem:$0x1C200] =	vst v63  }
0x3f: {  	_ =	swait.ge [sflag:s22], $0x4000  }
0x40: {  	[sflag:s22] =	ssyncset.done $0x0  }
0x41: {  	[sflag:s22] =	ssyncadd.s32 $0xFFFFC000  }
0x42: {  	[spmem:s2] =	stream.indirect.scatter.add.f32 [tilespmem:s19], [sflag:$0x3], $0x80, s23, s18, $0xb8;
	[tilespmem:$0x1C200] =	vst v63  }
0x43: {  	_ =	swait.ge [sflag:s24], $0x4000  }
0x44: {  	[sflag:s24] =	ssyncset.done $0x0  }
0x45: {  	s30 =	sadd.s32 $0x0, s13;
	[sflag:s24] =	ssyncadd.s32 $0xFFFFC000  }
0x46: {  	[tilespmem:s17], [sflag:$0x5] =	stream.linear.gather [hbm4b:s30+s3], $0x100, $0x38;
	[tilespmem:$0x1C200] =	vst v63  }
0x47: {  	_ =	swait.ge [sflag:s16], $0x100  }
0x48: {  	[sflag:s16] =	ssyncset.done $0x0  }
0x49: {  	[sflag:s16] =	ssyncadd.s32 $0xFFFFFF00  }
0x4a: {  	[tilespmem:s19], [sflag:$0x1] =	stream.indirect.gather [hbm4b:s4+s18], $0x80, s17, s18, $0xb8;
	[tilespmem:$0x1C200] =	vst v63  }
0x4b: {  	_ =	swait.ge [sflag:s25], $0x4000  }
0x4c: {  	[sflag:s25] =	ssyncset.done $0x0  }
0x4d: {  	s30 =	simm.s32 $0x40;
	[sflag:s25] =	ssyncadd.s32 $0xFFFFC000  }
.LBB2_2:
0x4e: {  	[spmem:s2] =	stream.indirect.scatter.add.f32 [tilespmem:s21], [sflag:$0x4], $0x80, s26, s18, $0xb8;
	[tilespmem:$0x1C200] =	vst v63  }
0x4f: {  	s31 =	smov.u32 s30  }
0x50: {  	p0 =	sne.s32 s30, $0x940;
	s30 =	sadd.s32 $0x40, s30;
	_ =	swait.ge [sflag:s28], $0x4000  }
0x51: {  	[sflag:s28] =	ssyncset.done $0x0  }
0x52: {  	s0 =	sadd.s32 s31, s14;
	[sflag:s28] =	ssyncadd.s32 $0xFFFFC000  }
0x53: {  	[tilespmem:s20], [sflag:$0x5] =	stream.linear.gather [hbm4b:s0+s3], $0x100, $0x38;
	[tilespmem:$0x1C200] =	vst v63  }
0x54: {  	_ =	swait.ge [sflag:s16], $0x100  }
0x55: {  	[sflag:s16] =	ssyncset.done $0x0  }
0x56: {  	[sflag:s16] =	ssyncadd.s32 $0xFFFFFF00  }
0x57: {  	[tilespmem:s21], [sflag:$0x2] =	stream.indirect.gather [hbm4b:s4+s18], $0x80, s20, s18, $0xb8;
	[tilespmem:$0x1C200] =	vst v63  }
0x58: {  	_ =	swait.ge [sflag:s22], $0x4000  }
0x59: {  	[sflag:s22] =	ssyncset.done $0x0  }
0x5a: {  	[sflag:s22] =	ssyncadd.s32 $0xFFFFC000  }
0x5b: {  	[spmem:s2] =	stream.indirect.scatter.add.f32 [tilespmem:s19], [sflag:$0x3], $0x80, s23, s18, $0xb8;
	[tilespmem:$0x1C200] =	vst v63  }
0x5c: {  	_ =	swait.ge [sflag:s24], $0x4000  }
0x5d: {  	[sflag:s24] =	ssyncset.done $0x0  }
0x5e: {  	s0 =	sadd.s32 s31, s13;
	[sflag:s24] =	ssyncadd.s32 $0xFFFFC000  }
0x5f: {  	[tilespmem:s17], [sflag:$0x5] =	stream.linear.gather [hbm4b:s0+s3], $0x100, $0x38;
	[tilespmem:$0x1C200] =	vst v63  }
0x60: {  	_ =	swait.ge [sflag:s16], $0x100  }
0x61: {  	[sflag:s16] =	ssyncset.done $0x0  }
.Ltmp0:
0x62: {  	[sflag:s16] =	ssyncadd.s32 $0xFFFFFF00;
	(pc) =	sbr.rel @p0 .LBB2_2-.Ltmp0, $4  }
0x63: {  	[tilespmem:s19], [sflag:$0x1] =	stream.indirect.gather [hbm4b:s4+s18], $0x80, s17, s18, $0xb8;
	[tilespmem:$0x1C200] =	vst v63  }
0x64: {  	_ =	swait.ge [sflag:s25], $0x4000  }
0x65: {  	[sflag:s25] =	ssyncset.done $0x0  }
0x66: {  	[sflag:s25] =	ssyncadd.s32 $0xFFFFC000  }
0x67: {  	[spmem:s2] =	stream.indirect.scatter.add.f32 [tilespmem:s21], [sflag:$0x4], $0x80, s26, s18, $0xb8;
	[tilespmem:$0x1C200] =	vst v63  }
0x68: {  	_ =	swait.ge [sflag:s28], $0x4000  }
0x69: {  	[sflag:s28] =	ssyncset.done $0x0  }
0x6a: {  	[sflag:s28] =	ssyncadd.s32 $0xFFFFC000  }
0x6b: {  	[tilespmem:s20], [sflag:$0x5] =	stream.linear.gather [hbm4b:s12+s3], $0x100, $0x38;
	[tilespmem:$0x1C200] =	vst v63  }
0x6c: {  	_ =	swait.ge [sflag:s16], $0x100  }
0x6d: {  	[sflag:s16] =	ssyncset.done $0x0  }
0x6e: {  	[sflag:s16] =	ssyncadd.s32 $0xFFFFFF00  }
0x6f: {  	[tilespmem:s21], [sflag:$0x2] =	stream.indirect.gather [hbm4b:s4+s18], $0x80, s20, s18, $0xb8;
	[tilespmem:$0x1C200] =	vst v63  }
0x70: {  	_ =	swait.ge [sflag:s22], $0x4000  }
0x71: {  	[sflag:s22] =	ssyncset.done $0x0  }
0x72: {  	[sflag:s22] =	ssyncadd.s32 $0xFFFFC000  }
0x73: {  	[spmem:s2] =	stream.indirect.scatter.add.f32 [tilespmem:s19], [sflag:$0x3], $0x80, s23, s18, $0xb8;
	[tilespmem:$0x1C200] =	vst v63  }
0x74: {  	_ =	swait.ge [sflag:s24], $0x4000  }
0x75: {  	[sflag:s24] =	ssyncset.done $0x0  }
0x76: {  	[sflag:s24] =	ssyncadd.s32 $0xFFFFC000  }
0x77: {  	_ =	swait.ge [sflag:s25], $0x4000  }
0x78: {  	[sflag:s25] =	ssyncset.done $0x0  }
0x79: {  	[sflag:s25] =	ssyncadd.s32 $0xFFFFC000  }
0x7a: {  	[spmem:s2] =	stream.indirect.scatter.add.f32 [tilespmem:s21], [sflag:$0x4], $0x80, s26, s18, $0xb8;
	[tilespmem:$0x1C200] =	vst v63  }
0x7b: {  	_ =	swait.ge [sflag:s28], $0x4000  }
0x7c: {  	s29 =	sadd.s32 $0x1, s29;
	[sflag:s28] =	ssyncset.done $0x0  }
0x7d: {  	p0 =	sne.s32 s29, s9;
	[sflag:s28] =	ssyncadd.s32 $0xFFFFC000  }
.Ltmp1:
0x7e: {  	[bflag:$0x0] =	sbarrier.arrive $0xFFFF;
	(pc) =	sbr.rel @p0 .LBB2_1-.Ltmp1, $4  }
0x7f: {  	[hbm:s8], [sflag:s6] =	dma.local [spmem:s15], $0x2800  }
0x80: {  	_ =	swait.ge [sflag:s16], $0x2800  }
0x81: {  	[sflag:s16] =	ssyncset.done $0x0  }
0x82: {  	[sflag:s16] =	ssyncadd.s32 $0xFFFFD800  }
0x83: {  	_ =	sfence.sel $0x180000  }
0x84: {  	[bflag:$0x0] =	sbarrier.arrive $0xFFFF  }
0x85: {  	_ =	strace $0x9000004A  }
0x86: {  	[bflag:$0x2] =	sbarrier.arrive $0xFFFF  }
0x87: {  	p0 =	sne.s32 s1, $0x0;
	s0 =	rddreg [dreg:$0x2]  }
0x88: {  	s0 =	sadd.s32 @!p0 $0x100000, s0  }
0x89: {  	[sflag:s0] =	ssyncadd.tile.s32 @!p0 $0x1;
	_ =	shalt  }
.Lfunc_end2:
_tile_overlayer_lowered:
.L_overlay_start_2:
0x8a: {  	(tag) =	ssettag $0x2  }
0x8b: {  	s0 =	rddreg [dreg:$0x0];
	s2 =	stileid.u32  }
0x8c: {  	s1 =	rddreg [dreg:$0x1];
	p0 =	sne.s32 s2, $0x0  }
0x8d: {  	s3 =	rddreg [dreg:$0x2];
	[bflag:$0x3] =	sbarrier.arrive $0xFFFF;
	s2 =	simm.s32 @!p0 $0x1C05  }
0x8e: {  	[timem:s3], [sflag:s2] =	dma.local @!p0 [hbm:s0], s1  }
0x8f: {  	s0 =	simm.s32 @!p0 $0x5  }
0x90: {  	_ =	swait.ge @!p0 [sflag:s0], s1  }
0x91: {  	s1 =	ssub.s32 @!p0 $0x0, s1;
	[sflag:s0] =	ssyncset.done @!p0 $0x0  }
0x92: {  	[sflag:s0] =	ssyncadd.s32 @!p0 s1  }
0x93: {  	[bflag:$0x3] =	sbarrier.arrive $0xFFFF  }
0x94: {  	_ =	shalt  }

// kernel: kernel.15.cloned.1.call-start
scs
__scs_entry_jumppad:
0x0: {  	(pc) =	sbr.rel $0x88, $3  }
0x1: {  	(tag) =	ssettag $0x0;
	lr =	simm.s32 $0x1  }
0x2: {  	[smem:$0x3F97] =	sst lr;
	_ =	strace $0xD0000000  }
0x3: {  	_ = 	snop  }
0x4: {  	_ = 	snop  }
0x5: {  	_ = 	snop  }
0x6: {  	_ = 	snop  }
0x7: {  	_ = 	snop  }
__scs_overlays_trampoline_lowered:
0x8: {  	[smem:$0x3FA6] =	sst s0  }
0x9: {  	[smem:$0x3FA7] =	sst s1  }
0xa: {  	[smem:$0x3FA8] =	sst s2  }
0xb: {  	[smem:$0x3FA9] =	sst s3  }
0xc: {  	[smem:$0x3FAA] =	sst s4  }
0xd: {  	[smem:$0x3FAB] =	sst s5  }
0xe: {  	[smem:$0x3FAC] =	sst s6  }
0xf: {  	[smem:$0x3FAD] =	sst s7  }
0x10: {  	[smem:$0x3FAE] =	sst s8  }
0x11: {  	[smem:$0x3FAF] =	sst s9;
	s0 =	simm.s32 @!p0 $0x0  }
0x12: {  	s1 =	sld [smem:$0x3F95];
	s0 =	simm.s32 @p0 $0x1  }
0x13: {  	[smem:$0x3FB0] =	sst s0;
	s0 =	simm.s32 @!p1 $0x0  }
0x14: {  	s2 =	sld [smem:$0x3F94];
	s0 =	simm.s32 @p1 $0x1  }
0x15: {  	[smem:$0x3FB1] =	sst s0;
	s0 =	simm.s32 @!p2 $0x0  }
0x16: {  	s3 =	sld [smem:$0x3FDB];
	s0 =	simm.s32 @p2 $0x1  }
0x17: {  	s4 =	simm.s32 $0x1BF5;
	[smem:$0x3FB3] =	sst s0  }
0x18: {  	s0 =	sld [smem:$0x3F96];
	_ =	swait.ge [sflag:s4], $0x0  }
0x19: {  	s7 =	sld [smem:$0x3F97]  }
0x1a: {  	s8 =	sadd.s32 $0xFFFFE003, lr  }
0x1b: {  	s9 =	sadd.s32 $0xFFFFFEF7, lr;
	s5 =	simm.s32 $0xFFFFFFFF;
	p2 =	slt.u32 s8, $0xFFFFF086  }
0x1c: {  	p1 =	slt.u32 s9, $0xF7A;
	s5 =	simm.s32 @!p2 $0x0  }
0x1d: {  	s5 =	simm.s32 @p1 $0x1;
	p0 =	seq.s32 s7, s2  }
0x1e: {  	s7 =	smul.u32 @!p0 $0xF7A, s2;
	p2 =	seq.s32 @!p0 s5, $0x0  }
0x1f: {  	s9 =	smul.u32 $0xF7A, s1;
	s8 =	simm.s32 @!p0 $0x1BF5;
	p2 =	por !p2, p0  }
0x20: {  	[sflag:s8] =	ssyncset.s32 @!p0 $0xFFFFF086;
	s6 =	sadd.s32 @!p0 s3, s7;
	s7 =	simm.s32 @!p0 $0x108  }
0x21: {  	s3 =	sadd.s32 s3, s9;
	s6 =	sadd.s32 @!p0 $0x88, s6;
	s7 =	simm.s32 @p2 $0x1082  }
0x22: {  	[simem:s7], [sflag:s8] =	dma.local @!p0 [hbm:s6], $0xF7A  }
0x23: {  	s9 =	sor.u32 $0xD0000000, s2;
	s6 =	simm.s32 $0x108;
	_ =	swait.ge @!p0 [sflag:s8], $0x0  }
0x24: {  	s3 =	sadd.s32 $0x88, s3;
	s6 =	simm.s32 @!p1 $0x1082;
	[sflag:s4] =	ssyncset.s32 $0xFFFFF086  }
0x25: {  	[simem:s6], [sflag:s4] =	dma.local [hbm:s3], $0xF7A  }
0x26: {  	[smem:$0x3F97] =	sst s1;
	(tag) =	ssettag s2;
	_ =	strace s9  }
0x27: {  	s1 =	sld [smem:$0x3FA7]  }
0x28: {  	s2 =	sld [smem:$0x3FA8]  }
0x29: {  	s4 =	sld [smem:$0x3FAA]  }
0x2a: {  	p0 =	seq.s32 s5, $0x0;
	s5 =	sld [smem:$0x3FAB]  }
0x2b: {  	s6 =	sld [smem:$0x3FAC]  }
0x2c: {  	s7 =	sld [smem:$0x3FAD]  }
0x2d: {  	s3 =	simm.s32 $0x108;
	s8 =	sld [smem:$0x3FAE]  }
0x2e: {  	s3 =	simm.s32 @!p0 $0x1082;
	s9 =	sld [smem:$0x3FAF]  }
0x2f: {  	lr =	sadd.s32 s0, s3;
	s0 =	sld [smem:$0x3FA6]  }
0x30: {  	s3 =	sld [smem:$0x3FA9]  }
0x31: {  	[smem:$0x3FB2] =	sst s10  }
0x32: {  	s10 =	sld [smem:$0x3FB0];
	_ =	sdelay $0x3  }
0x33: {  	p0 =	seq.s32 s10, $0x1;
	s10 =	sld [smem:$0x3FB2];
	_ =	sdelay $0x3  }
0x34: {  	[smem:$0x3FB2] =	sst s10  }
0x35: {  	s10 =	sld [smem:$0x3FB1];
	_ =	sdelay $0x3  }
0x36: {  	p1 =	seq.s32 s10, $0x1;
	s10 =	sld [smem:$0x3FB2];
	_ =	sdelay $0x3  }
0x37: {  	[smem:$0x3FB2] =	sst s10  }
0x38: {  	s10 =	sld [smem:$0x3FB3]  }
0x39: {  	_ = 	snop;
	(pc) =	sbr.ind lr, $3  }
0x3a: {  	_ = 	snop  }
0x3b: {  	_ = 	snop  }
0x3c: {  	p2 =	seq.s32 s10, $0x1;
	s10 =	sld [smem:$0x3FB2]  }
0x3d: {  	_ =	shalt  }
0x3e: {  	_ =	shalt  }
0x3f: {  	_ =	shalt  }
0x40: {  	_ =	shalt  }
0x41: {  	_ =	shalt  }
0x42: {  	_ =	shalt  }
0x43: {  	_ =	shalt  }
0x44: {  	_ =	shalt  }
0x45: {  	_ =	shalt  }
0x46: {  	_ =	shalt  }
0x47: {  	_ =	shalt  }
0x48: {  	_ =	shalt  }
0x49: {  	_ =	shalt  }
0x4a: {  	_ =	shalt  }
0x4b: {  	_ =	shalt  }
0x4c: {  	_ =	shalt  }
0x4d: {  	_ =	shalt  }
0x4e: {  	_ =	shalt  }
0x4f: {  	_ =	shalt  }
0x50: {  	_ =	shalt  }
0x51: {  	_ =	shalt  }
0x52: {  	_ =	shalt  }
0x53: {  	_ =	shalt  }
0x54: {  	_ =	shalt  }
0x55: {  	_ =	shalt  }
0x56: {  	_ =	shalt  }
0x57: {  	_ =	shalt  }
0x58: {  	_ =	shalt  }
0x59: {  	_ =	shalt  }
0x5a: {  	_ =	shalt  }
0x5b: {  	_ =	shalt  }
0x5c: {  	_ =	shalt  }
0x5d: {  	_ =	shalt  }
0x5e: {  	_ =	shalt  }
0x5f: {  	_ =	shalt  }
0x60: {  	_ =	shalt  }
0x61: {  	_ =	shalt  }
0x62: {  	_ =	shalt  }
0x63: {  	_ =	shalt  }
0x64: {  	_ =	shalt  }
0x65: {  	_ =	shalt  }
0x66: {  	_ =	shalt  }
0x67: {  	_ =	shalt  }
0x68: {  	_ =	shalt  }
0x69: {  	_ =	shalt  }
0x6a: {  	_ =	shalt  }
0x6b: {  	_ =	shalt  }
0x6c: {  	_ =	shalt  }
0x6d: {  	_ =	shalt  }
0x6e: {  	_ =	shalt  }
0x6f: {  	_ =	shalt  }
0x70: {  	_ =	shalt  }
0x71: {  	_ =	shalt  }
0x72: {  	_ =	shalt  }
0x73: {  	_ =	shalt  }
0x74: {  	_ =	shalt  }
0x75: {  	_ =	shalt  }
0x76: {  	_ =	shalt  }
0x77: {  	_ =	shalt  }
0x78: {  	_ =	shalt  }
0x79: {  	_ =	shalt  }
0x7a: {  	_ =	shalt  }
0x7b: {  	_ =	shalt  }
0x7c: {  	_ =	shalt  }
0x7d: {  	_ =	shalt  }
0x7e: {  	_ =	shalt  }
0x7f: {  	_ =	shalt  }
0x80: {  	_ =	shalt  }
0x81: {  	_ =	shalt  }
0x82: {  	_ =	shalt  }
0x83: {  	_ =	shalt  }
0x84: {  	_ =	shalt  }
0x85: {  	_ =	shalt  }
0x86: {  	_ =	shalt  }
0x87: {  	_ =	shalt  }
.Lfunc_end0:
.L_simem_size_0:
called_computation.2_lowered:
.L_overlay_start_0:
0x88: {  	s2 =	sld [smem:$0x3FD9]  }
0x89: {  	s3 =	sld [smem:$0x3FFE];
	_ =	sdelay $0x1  }
0x8a: {  	s1 =	srdreg.scid  }
0x8b: {  	s0 =	sand.u32 $0x1, s1  }
0x8c: {  	s16 =	sshll.u32 s0, $0xA;
	s2 =	sadd.s32 s3, s2  }
0x8d: {  	s2 =	sadd.s32 s2, s16  }
0x8e: {  	[smem:$0x3FBE] =	sst s2  }
0x8f: {  	_ = 	snop  }
0x90: {  	(tm) =	ssettm $0x1  }
0x91: {  	s17 =	sld [smem:$0x3FFB];
	_ =	sdelay $0x3  }
0x92: {  	_ =	strace s17  }
0x93: {  	s2 =	sld [smem:$0x3FFC];
	_ =	sdelay $0x3  }
0x94: {  	_ =	strace s2  }
0x95: {  	s2 =	sld [smem:$0x3FFD];
	_ =	sdelay $0x3  }
0x96: {  	_ =	strace s2  }
0x97: {  	_ =	strace $0x8FFFFFFF  }
0x98: {  	s18 =	sld [smem:$0x3FDB];
	_ =	sdelay $0x1  }
0x99: {  	s19 =	simm.s32 $_scs_section_size  }
0x9a: {  	s4 =	simm.s32 $_size__tile_overlayer_lowered;
	s5 =	simm.s32 $_tile_overlayer_lowered  }
0x9b: {  	s22 =	simm.s32 $0x1BFF;
	s21 =	sshll.u32 s5, $0x1;
	s2 =	sadd.s32 s19, s18  }
0x9c: {  	s6 =	simm.s32 $0x0;
	s20 =	sshll.u32 s4, $0x1;
	s4 =	sadd.s32 s21, s2  }
0x9d: {  	[timem:s6], [sflag:s22] =	dma.local [hbm:s4], s20  }
0x9e: {  	_ =	swait.ge [sflag:s22], s20  }
0x9f: {  	s3 =	ssub.s32 $0x0, s20;
	[sflag:s22] =	ssyncset.done $0x0  }
0xa0: {  	[sflag:s22] =	ssyncadd.s32 s3;
	_ =	sdelay $0x1  }
0xa1: {  	s23 =	simm.s32 $0x1B8B  }
0xa2: {  	_ =	swait.ge [sflag:s23], $0x1  }
0xa3: {  	[sflag:s23] =	ssyncset.done $0x0  }
0xa4: {  	s25 =	simm.s32 $0x1B8E;
	s24 =	sld [smem:$0x3FFE];
	[sflag:s23] =	ssyncadd.s32 $0xFFFFFFFF  }
0xa5: {  	s26 =	simm.s32 $execute0_lowered;
	[smem:$0x3FD2] =	sst s25  }
0xa6: {  	s4 =	sshll.u32 s26, $0x1;
	_ =	strace $0x8000004C;
	[dreg:$0x1] =	wrdreg $0xFFFFFFFF  }
0xa7: {  	s28 =	simm.s32 $_size_execute0_lowered;
	s2 =	sadd.s32 s2, s4;
	[dreg:$0x0] =	wrdreg $0x0  }
0xa8: {  	s4 =	sshll.u32 s28, $0x1;
	[dreg:$0x2] =	wrdreg s2  }
0xa9: {  	[dreg:$0x3] =	wrdreg s4  }
0xaa: {  	[dreg:$0x4] =	wrdreg $0xC0  }
0xab: {  	_ =	task [dreg:s6], $0x5FFFF  }
0xac: {  	[dreg:$0x1] =	wrdreg $0xFFFFFFFF  }
0xad: {  	[dreg:$0x0] =	wrdreg $0x60  }
0xae: {  	[dreg:$0x2] =	wrdreg s24  }
0xaf: {  	[dreg:$0x3] =	wrdreg $0x0  }
0xb0: {  	[dreg:$0x4] =	wrdreg $0x9  }
0xb1: {  	_ =	task.clear_ibuf [dreg:s6], $0x5FFFF;
	_ =	strace $0x9000004C  }
0xb2: {  	s29 =	simm.s32 $0x9;
	_ =	strace $0x8000004E  }
0xb3: {  	_ =	swait.ge [sflag:s29], $0x1  }
0xb4: {  	[sflag:s29] =	ssyncadd.s32 $0xFFFFFFFF  }
0xb5: {  	_ =	strace $0x9000004E  }
0xb6: {  	_ =	sfence  }
0xb7: {  	s30 =	sld [smem:$0x0];
	_ =	sdelay $0x2  }
0xb8: {  	s31 =	sshll.u32 s1, $0xD;
	s1 =	sshrl.u32 s1, $0x2  }
0xb9: {  	s3 =	sand.u32 $0x4000, s31;
	s1 =	sadd.s32 s1, s30  }
0xba: {  	s0 =	sor.u32 s3, s0;
	s1 =	sshll.u32 s1, $0x11  }
0xbb: {  	s0 =	sor.u32 s1, s0  }
0xbc: {  	s0 =	sadd.s32 $0x8F2B, s0  }
0xbd: {  	[sflag:s0] =	ssyncadd.remote.s32 $0x1  }
0xbe: {  	_ =	sfence.sel $0xFFFF  }
0xbf: {  	[dreg:$0x0] =	wrdreg $0xFFFFFFFF;
	(pc) =	sbr.abs _section_cstart, $3  }
0xc0: {  	[dreg:$0x1] =	wrdreg $0xFFFFFFFF  }
0xc1: {  	_ =	task.clear_ibuf [dreg:s6], $0x2FFFF;
	_ =	strace $0x9FFFFFFF  }
0xc2: {  	(tm) =	ssettm $0x7FFFFFFF  }
0xc3: {  	_ =	shalt  }
tec
execute0_lowered:
.L_overlay_start_1:
0x0: {  	(tag) =	ssettag $0x1  }
0x1: {  	s5 =	rddreg [dreg:$0x0]  }
0x2: {  	s2 =	rddreg [dreg:$0x1];
	s1 =	stileid.u32  }
0x3: {  	s4 =	srdreg.scid;
	s3 =	simm.s32 $0x0;
	s28 =	simm.s32 $0x4  }
0x4: {  	s29 =	simm.s32 $0x0;
	s6 =	smul.u32 $0x14000, s1;
	s7 =	sand.u32 $0x1, s4  }
0x5: {  	[smem:$0x7FF] =	sst s3;
	s4 =	sadd.s32 $0x16800, s5;
	s17 =	smul.u32 $0x50000, s1  }
0x6: {  	s14 =	sadd.s32 $0x2800, s5;
	s21 =	sshll.u32 s1, $0x6;
	s16 =	smul.u32 $0x5000, s1  }
0x7: {  	s8 =	smul.u32 $0x140000, s7;
	_ =	strace $0x8000004D;
	s10 =	sshll.u32 s7, $0x4  }
0x8: {  	s18 =	ssub.s32 $0x2, s7;
	s13 =	smul.u32 $0x50000, s7;
	s9 =	sshrl.u32 s6, $0x3  }
0x9: {  	s19 =	sor.u32 s1, s10;
	s20 =	sshrl.u32 s18, $0x1;
	s9 =	sadd.s32 s9, s5  }
0xa: {  	s6 =	sadd.s32 s6, s8;
	s8 =	sshrl.u32 s17, $0x2;
	s12 =	smul.u32 $0x5000, s19  }
0xb: {  	s10 =	ssub.s32 s18, s20;
	s13 =	sadd.s32 s16, s13;
	s16 =	simm.s32 $0x5  }
0xc: {  	s18 =	simm.s32 $0x80;
	s19 =	simm.s32 $0x14200;
	s20 =	simm.s32 $0x14100  }
0xd: {  	s6 =	sshrl.u32 s6, $0x3;
	s15 =	sadd.s32 s8, s2;
	s25 =	sor.u32 $0x400, s13  }
0xe: {  	s30 =	sor.u32 $0x300, s13;
	s11 =	sadd.s32 s6, s5;
	s5 =	sadd.s32 $0x3DA00, s9  }
0xf: {  	s22 =	sshrl.u32 s12, $0x3;
	s6 =	sor.u32 $0x1C05, s21;
	s17 =	sor.u32 $0x100, s12  }
0x10: {  	s12 =	sor.u32 $0x200, s12;
	s9 =	smax.u32 s10, $0x1;
	s26 =	sshrl.u32 s25, $0x3  }
0x11: {  	s31 =	sshrl.u32 s30, $0x3;
	s15 =	sshrl.u32 s15, $0x3;
	s21 =	simm.s32 $0x18200  }
0x12: {  	s25 =	simm.s32 $0x2;
	s7 =	sadd.s32 s14, s22;
	s8 =	sadd.s32 $0x65A00, s11  }
0x13: {  	s23 =	sshrl.u32 s17, $0x3;
	s24 =	sshrl.u32 s12, $0x3;
	s13 =	sadd.s32 s26, s14  }
0x14: {  	s17 =	simm.s32 $0x14000;
	s22 =	simm.s32 $0x1;
	s26 =	simm.s32 $0x14180  }
0x15: {  	s10 =	sadd.s32 s14, s23;
	s11 =	sadd.s32 s14, s24;
	s12 =	sadd.s32 $0x9E0, s7  }
0x16: {  	s14 =	sadd.s32 s31, s14;
	s23 =	simm.s32 $0x14080;
	s24 =	simm.s32 $0x3  }
.LBB2_1:
0x17: {  	[spmem:s15], [sflag:s6] =	dma.local [hbm:s5], $0x2800  }
0x18: {  	_ =	swait.ge [sflag:s16], $0x2800  }
0x19: {  	[sflag:s16] =	ssyncset.done $0x0  }
0x1a: {  	[sflag:s16] =	ssyncadd.s32 $0xFFFFD800  }
0x1b: {  	[bflag:$0x0] =	sbarrier.arrive $0xFFFF  }
0x1c: {  	[tilespmem:s17], [sflag:$0x5] =	stream.linear.gather [hbm4b:s7+s3], $0x100, $0x38;
	[tilespmem:$0x1C200] =	vst v63  }
0x1d: {  	_ =	swait.ge [sflag:s16], $0x100  }
0x1e: {  	[sflag:s16] =	ssyncset.done $0x0  }
0x1f: {  	[sflag:s16] =	ssyncadd.s32 $0xFFFFFF00  }
0x20: {  	[tilespmem:s19], [sflag:$0x1] =	stream.indirect.gather [hbm4b:s4+s18], $0x80, s17, s18, $0xb8;
	[tilespmem:$0x1C200] =	vst v63  }
0x21: {  	_ = 	snop  }
0x22: {  	[tilespmem:s20], [sflag:$0x5] =	stream.linear.gather [hbm4b:s10+s3], $0x100, $0x38;
	[tilespmem:$0x1C200] =	vst v63  }
0x23: {  	_ =	swait.ge [sflag:s16], $0x100  }
0x24: {  	[sflag:s16] =	ssyncset.done $0x0  }
0x25: {  	[sflag:s16] =	ssyncadd.s32 $0xFFFFFF00  }
0x26: {  	[tilespmem:s21], [sflag:$0x2] =	stream.indirect.gather [hbm4b:s4+s18], $0x80, s20, s18, $0xb8;
	[tilespmem:$0x1C200] =	vst v63  }
0x27: {  	_ =	swait.ge [sflag:s22], $0x4000  }
0x28: {  	[sflag:s22] =	ssyncset.done $0x0  }
0x29: {  	[sflag:s22] =	ssyncadd.s32 $0xFFFFC000  }
0x2a: {  	[spmem:s2] =	stream.indirect.scatter.add.f32 [tilespmem:s19], [sflag:$0x3], $0x80, s23, s18, $0xb8;
	[tilespmem:$0x1C200] =	vst v63  }
0x2b: {  	_ =	swait.ge [sflag:s24], $0x4000  }
0x2c: {  	[sflag:s24] =	ssyncset.done $0x0  }
0x2d: {  	[sflag:s24] =	ssyncadd.s32 $0xFFFFC000  }
0x2e: {  	[tilespmem:s17], [sflag:$0x5] =	stream.linear.gather [hbm4b:s11+s3], $0x100, $0x38;
	[tilespmem:$0x1C200] =	vst v63  }
0x2f: {  	_ =	swait.ge [sflag:s16], $0x100  }
0x30: {  	[sflag:s16] =	ssyncset.done $0x0  }
0x31: {  	[sflag:s16] =	ssyncadd.s32 $0xFFFFFF00  }
0x32: {  	[tilespmem:s19], [sflag:$0x1] =	stream.indirect.gather [hbm4b:s4+s18], $0x80, s17, s18, $0xb8;
	[tilespmem:$0x1C200] =	vst v63  }
0x33: {  	_ =	swait.ge [sflag:s25], $0x4000  }
0x34: {  	[sflag:s25] =	ssyncset.done $0x0  }
0x35: {  	[sflag:s25] =	ssyncadd.s32 $0xFFFFC000  }
0x36: {  	[spmem:s2] =	stream.indirect.scatter.add.f32 [tilespmem:s21], [sflag:$0x4], $0x80, s26, s18, $0xb8;
	[tilespmem:$0x1C200] =	vst v63  }
0x37: {  	_ =	swait.ge [sflag:s28], $0x4000  }
0x38: {  	[sflag:s28] =	ssyncset.done $0x0  }
0x39: {  	s30 =	sadd.s32 $0x0, s14;
	[sflag:s28] =	ssyncadd.s32 $0xFFFFC000  }
0x3a: {  	[tilespmem:s20], [sflag:$0x5] =	stream.linear.gather [hbm4b:s30+s3], $0x100, $0x38;
	[tilespmem:$0x1C200] =	vst v63  }
0x3b: {  	_ =	swait.ge [sflag:s16], $0x100  }
0x3c: {  	[sflag:s16] =	ssyncset.done $0x0  }
0x3d: {  	[sflag:s16] =	ssyncadd.s32 $0xFFFFFF00  }
0x3e: {  	[tilespmem:s21], [sflag:$0x2] =	stream.indirect.gather [hbm4b:s4+s18], $0x80, s20, s18, $0xb8;
	[tilespmem:$0x1C200] =	vst v63  }
0x3f: {  	_ =	swait.ge [sflag:s22], $0x4000  }
0x40: {  	[sflag:s22] =	ssyncset.done $0x0  }
0x41: {  	[sflag:s22] =	ssyncadd.s32 $0xFFFFC000  }
0x42: {  	[spmem:s2] =	stream.indirect.scatter.add.f32 [tilespmem:s19], [sflag:$0x3], $0x80, s23, s18, $0xb8;
	[tilespmem:$0x1C200] =	vst v63  }
0x43: {  	_ =	swait.ge [sflag:s24], $0x4000  }
0x44: {  	[sflag:s24] =	ssyncset.done $0x0  }
0x45: {  	s30 =	sadd.s32 $0x0, s13;
	[sflag:s24] =	ssyncadd.s32 $0xFFFFC000  }
0x46: {  	[tilespmem:s17], [sflag:$0x5] =	stream.linear.gather [hbm4b:s30+s3], $0x100, $0x38;
	[tilespmem:$0x1C200] =	vst v63  }
0x47: {  	_ =	swait.ge [sflag:s16], $0x100  }
0x48: {  	[sflag:s16] =	ssyncset.done $0x0  }
0x49: {  	[sflag:s16] =	ssyncadd.s32 $0xFFFFFF00  }
0x4a: {  	[tilespmem:s19], [sflag:$0x1] =	stream.indirect.gather [hbm4b:s4+s18], $0x80, s17, s18, $0xb8;
	[tilespmem:$0x1C200] =	vst v63  }
0x4b: {  	_ =	swait.ge [sflag:s25], $0x4000  }
0x4c: {  	[sflag:s25] =	ssyncset.done $0x0  }
0x4d: {  	s30 =	simm.s32 $0x40;
	[sflag:s25] =	ssyncadd.s32 $0xFFFFC000  }
.LBB2_2:
0x4e: {  	[spmem:s2] =	stream.indirect.scatter.add.f32 [tilespmem:s21], [sflag:$0x4], $0x80, s26, s18, $0xb8;
	[tilespmem:$0x1C200] =	vst v63  }
0x4f: {  	s31 =	smov.u32 s30  }
0x50: {  	p0 =	sne.s32 s30, $0x940;
	s30 =	sadd.s32 $0x40, s30;
	_ =	swait.ge [sflag:s28], $0x4000  }
0x51: {  	[sflag:s28] =	ssyncset.done $0x0  }
0x52: {  	s0 =	sadd.s32 s31, s14;
	[sflag:s28] =	ssyncadd.s32 $0xFFFFC000  }
0x53: {  	[tilespmem:s20], [sflag:$0x5] =	stream.linear.gather [hbm4b:s0+s3], $0x100, $0x38;
	[tilespmem:$0x1C200] =	vst v63  }
0x54: {  	_ =	swait.ge [sflag:s16], $0x100  }
0x55: {  	[sflag:s16] =	ssyncset.done $0x0  }
0x56: {  	[sflag:s16] =	ssyncadd.s32 $0xFFFFFF00  }
0x57: {  	[tilespmem:s21], [sflag:$0x2] =	stream.indirect.gather [hbm4b:s4+s18], $0x80, s20, s18, $0xb8;
	[tilespmem:$0x1C200] =	vst v63  }
0x58: {  	_ =	swait.ge [sflag:s22], $0x4000  }
0x59: {  	[sflag:s22] =	ssyncset.done $0x0  }
0x5a: {  	[sflag:s22] =	ssyncadd.s32 $0xFFFFC000  }
0x5b: {  	[spmem:s2] =	stream.indirect.scatter.add.f32 [tilespmem:s19], [sflag:$0x3], $0x80, s23, s18, $0xb8;
	[tilespmem:$0x1C200] =	vst v63  }
0x5c: {  	_ =	swait.ge [sflag:s24], $0x4000  }
0x5d: {  	[sflag:s24] =	ssyncset.done $0x0  }
0x5e: {  	s0 =	sadd.s32 s31, s13;
	[sflag:s24] =	ssyncadd.s32 $0xFFFFC000  }
0x5f: {  	[tilespmem:s17], [sflag:$0x5] =	stream.linear.gather [hbm4b:s0+s3], $0x100, $0x38;
	[tilespmem:$0x1C200] =	vst v63  }
0x60: {  	_ =	swait.ge [sflag:s16], $0x100  }
0x61: {  	[sflag:s16] =	ssyncset.done $0x0  }
.Ltmp0:
0x62: {  	[sflag:s16] =	ssyncadd.s32 $0xFFFFFF00;
	(pc) =	sbr.rel @p0 .LBB2_2-.Ltmp0, $4  }
0x63: {  	[tilespmem:s19], [sflag:$0x1] =	stream.indirect.gather [hbm4b:s4+s18], $0x80, s17, s18, $0xb8;
	[tilespmem:$0x1C200] =	vst v63  }
0x64: {  	_ =	swait.ge [sflag:s25], $0x4000  }
0x65: {  	[sflag:s25] =	ssyncset.done $0x0  }
0x66: {  	[sflag:s25] =	ssyncadd.s32 $0xFFFFC000  }
0x67: {  	[spmem:s2] =	stream.indirect.scatter.add.f32 [tilespmem:s21], [sflag:$0x4], $0x80, s26, s18, $0xb8;
	[tilespmem:$0x1C200] =	vst v63  }
0x68: {  	_ =	swait.ge [sflag:s28], $0x4000  }
0x69: {  	[sflag:s28] =	ssyncset.done $0x0  }
0x6a: {  	[sflag:s28] =	ssyncadd.s32 $0xFFFFC000  }
0x6b: {  	[tilespmem:s20], [sflag:$0x5] =	stream.linear.gather [hbm4b:s12+s3], $0x100, $0x38;
	[tilespmem:$0x1C200] =	vst v63  }
0x6c: {  	_ =	swait.ge [sflag:s16], $0x100  }
0x6d: {  	[sflag:s16] =	ssyncset.done $0x0  }
0x6e: {  	[sflag:s16] =	ssyncadd.s32 $0xFFFFFF00  }
0x6f: {  	[tilespmem:s21], [sflag:$0x2] =	stream.indirect.gather [hbm4b:s4+s18], $0x80, s20, s18, $0xb8;
	[tilespmem:$0x1C200] =	vst v63  }
0x70: {  	_ =	swait.ge [sflag:s22], $0x4000  }
0x71: {  	[sflag:s22] =	ssyncset.done $0x0  }
0x72: {  	[sflag:s22] =	ssyncadd.s32 $0xFFFFC000  }
0x73: {  	[spmem:s2] =	stream.indirect.scatter.add.f32 [tilespmem:s19], [sflag:$0x3], $0x80, s23, s18, $0xb8;
	[tilespmem:$0x1C200] =	vst v63  }
0x74: {  	_ =	swait.ge [sflag:s24], $0x4000  }
0x75: {  	[sflag:s24] =	ssyncset.done $0x0  }
0x76: {  	[sflag:s24] =	ssyncadd.s32 $0xFFFFC000  }
0x77: {  	_ =	swait.ge [sflag:s25], $0x4000  }
0x78: {  	[sflag:s25] =	ssyncset.done $0x0  }
0x79: {  	[sflag:s25] =	ssyncadd.s32 $0xFFFFC000  }
0x7a: {  	[spmem:s2] =	stream.indirect.scatter.add.f32 [tilespmem:s21], [sflag:$0x4], $0x80, s26, s18, $0xb8;
	[tilespmem:$0x1C200] =	vst v63  }
0x7b: {  	_ =	swait.ge [sflag:s28], $0x4000  }
0x7c: {  	s29 =	sadd.s32 $0x1, s29;
	[sflag:s28] =	ssyncset.done $0x0  }
0x7d: {  	p0 =	sne.s32 s29, s9;
	[sflag:s28] =	ssyncadd.s32 $0xFFFFC000  }
.Ltmp1:
0x7e: {  	[bflag:$0x0] =	sbarrier.arrive $0xFFFF;
	(pc) =	sbr.rel @p0 .LBB2_1-.Ltmp1, $4  }
0x7f: {  	[hbm:s8], [sflag:s6] =	dma.local [spmem:s15], $0x2800  }
0x80: {  	_ =	swait.ge [sflag:s16], $0x2800  }
0x81: {  	[sflag:s16] =	ssyncset.done $0x0  }
0x82: {  	[sflag:s16] =	ssyncadd.s32 $0xFFFFD800  }
0x83: {  	_ =	sfence.sel $0x180000  }
0x84: {  	[bflag:$0x0] =	sbarrier.arrive $0xFFFF  }
0x85: {  	_ =	strace $0x9000004D  }
0x86: {  	[bflag:$0x2] =	sbarrier.arrive $0xFFFF  }
0x87: {  	p0 =	sne.s32 s1, $0x0;
	s0 =	rddreg [dreg:$0x2]  }
0x88: {  	s0 =	sadd.s32 @!p0 $0x100000, s0  }
0x89: {  	[sflag:s0] =	ssyncadd.tile.s32 @!p0 $0x1;
	_ =	shalt  }
.Lfunc_end2:
_tile_overlayer_lowered:
.L_overlay_start_2:
0x8a: {  	(tag) =	ssettag $0x2  }
0x8b: {  	s0 =	rddreg [dreg:$0x0];
	s2 =	stileid.u32  }
0x8c: {  	s1 =	rddreg [dreg:$0x1];
	p0 =	sne.s32 s2, $0x0  }
0x8d: {  	s3 =	rddreg [dreg:$0x2];
	[bflag:$0x3] =	sbarrier.arrive $0xFFFF;
	s2 =	simm.s32 @!p0 $0x1C05  }
0x8e: {  	[timem:s3], [sflag:s2] =	dma.local @!p0 [hbm:s0], s1  }
0x8f: {  	s0 =	simm.s32 @!p0 $0x5  }
0x90: {  	_ =	swait.ge @!p0 [sflag:s0], s1  }
0x91: {  	s1 =	ssub.s32 @!p0 $0x0, s1;
	[sflag:s0] =	ssyncset.done @!p0 $0x0  }
0x92: {  	[sflag:s0] =	ssyncadd.s32 @!p0 s1  }
0x93: {  	[bflag:$0x3] =	sbarrier.arrive $0xFFFF  }
0x94: {  	_ =	shalt  }

// kernel: kernel.9.cloned.1.call-start
scs
__scs_entry_jumppad:
0x0: {  	(pc) =	sbr.rel $0x88, $3  }
0x1: {  	(tag) =	ssettag $0x0;
	lr =	simm.s32 $0x1  }
0x2: {  	[smem:$0x3F97] =	sst lr;
	_ =	strace $0xD0000000  }
0x3: {  	_ = 	snop  }
0x4: {  	_ = 	snop  }
0x5: {  	_ = 	snop  }
0x6: {  	_ = 	snop  }
0x7: {  	_ = 	snop  }
__scs_overlays_trampoline_lowered:
0x8: {  	[smem:$0x3FA6] =	sst s0  }
0x9: {  	[smem:$0x3FA7] =	sst s1  }
0xa: {  	[smem:$0x3FA8] =	sst s2  }
0xb: {  	[smem:$0x3FA9] =	sst s3  }
0xc: {  	[smem:$0x3FAA] =	sst s4  }
0xd: {  	[smem:$0x3FAB] =	sst s5  }
0xe: {  	[smem:$0x3FAC] =	sst s6  }
0xf: {  	[smem:$0x3FAD] =	sst s7  }
0x10: {  	[smem:$0x3FAE] =	sst s8  }
0x11: {  	[smem:$0x3FAF] =	sst s9;
	s0 =	simm.s32 @!p0 $0x0  }
0x12: {  	s1 =	sld [smem:$0x3F95];
	s0 =	simm.s32 @p0 $0x1  }
0x13: {  	[smem:$0x3FB0] =	sst s0;
	s0 =	simm.s32 @!p1 $0x0  }
0x14: {  	s2 =	sld [smem:$0x3F94];
	s0 =	simm.s32 @p1 $0x1  }
0x15: {  	[smem:$0x3FB1] =	sst s0;
	s0 =	simm.s32 @!p2 $0x0  }
0x16: {  	s3 =	sld [smem:$0x3FDB];
	s0 =	simm.s32 @p2 $0x1  }
0x17: {  	s4 =	simm.s32 $0x1BF5;
	[smem:$0x3FB3] =	sst s0  }
0x18: {  	s0 =	sld [smem:$0x3F96];
	_ =	swait.ge [sflag:s4], $0x0  }
0x19: {  	s7 =	sld [smem:$0x3F97]  }
0x1a: {  	s8 =	sadd.s32 $0xFFFFE003, lr  }
0x1b: {  	s9 =	sadd.s32 $0xFFFFFEF7, lr;
	s5 =	simm.s32 $0xFFFFFFFF;
	p2 =	slt.u32 s8, $0xFFFFF086  }
0x1c: {  	p1 =	slt.u32 s9, $0xF7A;
	s5 =	simm.s32 @!p2 $0x0  }
0x1d: {  	s5 =	simm.s32 @p1 $0x1;
	p0 =	seq.s32 s7, s2  }
0x1e: {  	s7 =	smul.u32 @!p0 $0xF7A, s2;
	p2 =	seq.s32 @!p0 s5, $0x0  }
0x1f: {  	s9 =	smul.u32 $0xF7A, s1;
	s8 =	simm.s32 @!p0 $0x1BF5;
	p2 =	por !p2, p0  }
0x20: {  	[sflag:s8] =	ssyncset.s32 @!p0 $0xFFFFF086;
	s6 =	sadd.s32 @!p0 s3, s7;
	s7 =	simm.s32 @!p0 $0x108  }
0x21: {  	s3 =	sadd.s32 s3, s9;
	s6 =	sadd.s32 @!p0 $0x88, s6;
	s7 =	simm.s32 @p2 $0x1082  }
0x22: {  	[simem:s7], [sflag:s8] =	dma.local @!p0 [hbm:s6], $0xF7A  }
0x23: {  	s9 =	sor.u32 $0xD0000000, s2;
	s6 =	simm.s32 $0x108;
	_ =	swait.ge @!p0 [sflag:s8], $0x0  }
0x24: {  	s3 =	sadd.s32 $0x88, s3;
	s6 =	simm.s32 @!p1 $0x1082;
	[sflag:s4] =	ssyncset.s32 $0xFFFFF086  }
0x25: {  	[simem:s6], [sflag:s4] =	dma.local [hbm:s3], $0xF7A  }
0x26: {  	[smem:$0x3F97] =	sst s1;
	(tag) =	ssettag s2;
	_ =	strace s9  }
0x27: {  	s1 =	sld [smem:$0x3FA7]  }
0x28: {  	s2 =	sld [smem:$0x3FA8]  }
0x29: {  	s4 =	sld [smem:$0x3FAA]  }
0x2a: {  	p0 =	seq.s32 s5, $0x0;
	s5 =	sld [smem:$0x3FAB]  }
0x2b: {  	s6 =	sld [smem:$0x3FAC]  }
0x2c: {  	s7 =	sld [smem:$0x3FAD]  }
0x2d: {  	s3 =	simm.s32 $0x108;
	s8 =	sld [smem:$0x3FAE]  }
0x2e: {  	s3 =	simm.s32 @!p0 $0x1082;
	s9 =	sld [smem:$0x3FAF]  }
0x2f: {  	lr =	sadd.s32 s0, s3;
	s0 =	sld [smem:$0x3FA6]  }
0x30: {  	s3 =	sld [smem:$0x3FA9]  }
0x31: {  	[smem:$0x3FB2] =	sst s10  }
0x32: {  	s10 =	sld [smem:$0x3FB0];
	_ =	sdelay $0x3  }
0x33: {  	p0 =	seq.s32 s10, $0x1;
	s10 =	sld [smem:$0x3FB2];
	_ =	sdelay $0x3  }
0x34: {  	[smem:$0x3FB2] =	sst s10  }
0x35: {  	s10 =	sld [smem:$0x3FB1];
	_ =	sdelay $0x3  }
0x36: {  	p1 =	seq.s32 s10, $0x1;
	s10 =	sld [smem:$0x3FB2];
	_ =	sdelay $0x3  }
0x37: {  	[smem:$0x3FB2] =	sst s10  }
0x38: {  	s10 =	sld [smem:$0x3FB3]  }
0x39: {  	_ = 	snop;
	(pc) =	sbr.ind lr, $3  }
0x3a: {  	_ = 	snop  }
0x3b: {  	_ = 	snop  }
0x3c: {  	p2 =	seq.s32 s10, $0x1;
	s10 =	sld [smem:$0x3FB2]  }
0x3d: {  	_ =	shalt  }
0x3e: {  	_ =	shalt  }
0x3f: {  	_ =	shalt  }
0x40: {  	_ =	shalt  }
0x41: {  	_ =	shalt  }
0x42: {  	_ =	shalt  }
0x43: {  	_ =	shalt  }
0x44: {  	_ =	shalt  }
0x45: {  	_ =	shalt  }
0x46: {  	_ =	shalt  }
0x47: {  	_ =	shalt  }
0x48: {  	_ =	shalt  }
0x49: {  	_ =	shalt  }
0x4a: {  	_ =	shalt  }
0x4b: {  	_ =	shalt  }
0x4c: {  	_ =	shalt  }
0x4d: {  	_ =	shalt  }
0x4e: {  	_ =	shalt  }
0x4f: {  	_ =	shalt  }
0x50: {  	_ =	shalt  }
0x51: {  	_ =	shalt  }
0x52: {  	_ =	shalt  }
0x53: {  	_ =	shalt  }
0x54: {  	_ =	shalt  }
0x55: {  	_ =	shalt  }
0x56: {  	_ =	shalt  }
0x57: {  	_ =	shalt  }
0x58: {  	_ =	shalt  }
0x59: {  	_ =	shalt  }
0x5a: {  	_ =	shalt  }
0x5b: {  	_ =	shalt  }
0x5c: {  	_ =	shalt  }
0x5d: {  	_ =	shalt  }
0x5e: {  	_ =	shalt  }
0x5f: {  	_ =	shalt  }
0x60: {  	_ =	shalt  }
0x61: {  	_ =	shalt  }
0x62: {  	_ =	shalt  }
0x63: {  	_ =	shalt  }
0x64: {  	_ =	shalt  }
0x65: {  	_ =	shalt  }
0x66: {  	_ =	shalt  }
0x67: {  	_ =	shalt  }
0x68: {  	_ =	shalt  }
0x69: {  	_ =	shalt  }
0x6a: {  	_ =	shalt  }
0x6b: {  	_ =	shalt  }
0x6c: {  	_ =	shalt  }
0x6d: {  	_ =	shalt  }
0x6e: {  	_ =	shalt  }
0x6f: {  	_ =	shalt  }
0x70: {  	_ =	shalt  }
0x71: {  	_ =	shalt  }
0x72: {  	_ =	shalt  }
0x73: {  	_ =	shalt  }
0x74: {  	_ =	shalt  }
0x75: {  	_ =	shalt  }
0x76: {  	_ =	shalt  }
0x77: {  	_ =	shalt  }
0x78: {  	_ =	shalt  }
0x79: {  	_ =	shalt  }
0x7a: {  	_ =	shalt  }
0x7b: {  	_ =	shalt  }
0x7c: {  	_ =	shalt  }
0x7d: {  	_ =	shalt  }
0x7e: {  	_ =	shalt  }
0x7f: {  	_ =	shalt  }
0x80: {  	_ =	shalt  }
0x81: {  	_ =	shalt  }
0x82: {  	_ =	shalt  }
0x83: {  	_ =	shalt  }
0x84: {  	_ =	shalt  }
0x85: {  	_ =	shalt  }
0x86: {  	_ =	shalt  }
0x87: {  	_ =	shalt  }
.Lfunc_end0:
.L_simem_size_0:
called_computation_lowered:
.L_overlay_start_0:
0x88: {  	s2 =	sld [smem:$0x3FD9]  }
0x89: {  	s3 =	sld [smem:$0x3FFE];
	_ =	sdelay $0x1  }
0x8a: {  	s1 =	srdreg.scid  }
0x8b: {  	s0 =	sand.u32 $0x1, s1  }
0x8c: {  	s16 =	sshll.u32 s0, $0xA;
	s2 =	sadd.s32 s3, s2  }
0x8d: {  	s2 =	sadd.s32 s2, s16  }
0x8e: {  	[smem:$0x3FBE] =	sst s2  }
0x8f: {  	_ = 	snop  }
0x90: {  	(tm) =	ssettm $0x1  }
0x91: {  	s17 =	sld [smem:$0x3FFB];
	_ =	sdelay $0x3  }
0x92: {  	_ =	strace s17  }
0x93: {  	s2 =	sld [smem:$0x3FFC];
	_ =	sdelay $0x3  }
0x94: {  	_ =	strace s2  }
0x95: {  	s2 =	sld [smem:$0x3FFD];
	_ =	sdelay $0x3  }
0x96: {  	_ =	strace s2  }
0x97: {  	_ =	strace $0x8FFFFFFF  }
0x98: {  	s18 =	sld [smem:$0x3FDB];
	_ =	sdelay $0x1  }
0x99: {  	s19 =	simm.s32 $_scs_section_size  }
0x9a: {  	s4 =	simm.s32 $_size__tile_overlayer_lowered;
	s5 =	simm.s32 $_tile_overlayer_lowered  }
0x9b: {  	s22 =	simm.s32 $0x1BFF;
	s21 =	sshll.u32 s5, $0x1;
	s2 =	sadd.s32 s19, s18  }
0x9c: {  	s6 =	simm.s32 $0x0;
	s20 =	sshll.u32 s4, $0x1;
	s4 =	sadd.s32 s21, s2  }
0x9d: {  	[timem:s6], [sflag:s22] =	dma.local [hbm:s4], s20  }
0x9e: {  	_ =	swait.ge [sflag:s22], s20  }
0x9f: {  	s3 =	ssub.s32 $0x0, s20;
	[sflag:s22] =	ssyncset.done $0x0  }
0xa0: {  	[sflag:s22] =	ssyncadd.s32 s3;
	_ =	sdelay $0x1  }
0xa1: {  	s23 =	simm.s32 $0x1B8B  }
0xa2: {  	_ =	swait.ge [sflag:s23], $0x1  }
0xa3: {  	[sflag:s23] =	ssyncset.done $0x0  }
0xa4: {  	s25 =	simm.s32 $0x1B8E;
	s24 =	sld [smem:$0x3FFE];
	[sflag:s23] =	ssyncadd.s32 $0xFFFFFFFF  }
0xa5: {  	s26 =	simm.s32 $execute0_lowered;
	[smem:$0x3FD2] =	sst s25  }
0xa6: {  	s4 =	sshll.u32 s26, $0x1;
	_ =	strace $0x80000046;
	[dreg:$0x1] =	wrdreg $0xFFFFFFFF  }
0xa7: {  	s28 =	simm.s32 $_size_execute0_lowered;
	s2 =	sadd.s32 s2, s4;
	[dreg:$0x0] =	wrdreg $0x0  }
0xa8: {  	s4 =	sshll.u32 s28, $0x1;
	[dreg:$0x2] =	wrdreg s2  }
0xa9: {  	[dreg:$0x3] =	wrdreg s4  }
0xaa: {  	[dreg:$0x4] =	wrdreg $0xC0  }
0xab: {  	_ =	task [dreg:s6], $0x5FFFF  }
0xac: {  	[dreg:$0x1] =	wrdreg $0xFFFFFFFF  }
0xad: {  	[dreg:$0x0] =	wrdreg $0x60  }
0xae: {  	[dreg:$0x2] =	wrdreg s24  }
0xaf: {  	[dreg:$0x3] =	wrdreg $0x0  }
0xb0: {  	[dreg:$0x4] =	wrdreg $0x9  }
0xb1: {  	_ =	task.clear_ibuf [dreg:s6], $0x5FFFF;
	_ =	strace $0x90000046  }
0xb2: {  	s29 =	simm.s32 $0x9;
	_ =	strace $0x80000048  }
0xb3: {  	_ =	swait.ge [sflag:s29], $0x1  }
0xb4: {  	[sflag:s29] =	ssyncadd.s32 $0xFFFFFFFF  }
0xb5: {  	_ =	strace $0x90000048  }
0xb6: {  	_ =	sfence  }
0xb7: {  	s30 =	sld [smem:$0x0];
	_ =	sdelay $0x2  }
0xb8: {  	s31 =	sshll.u32 s1, $0xD;
	s1 =	sshrl.u32 s1, $0x2  }
0xb9: {  	s3 =	sand.u32 $0x4000, s31;
	s1 =	sadd.s32 s1, s30  }
0xba: {  	s0 =	sor.u32 s3, s0;
	s1 =	sshll.u32 s1, $0x11  }
0xbb: {  	s0 =	sor.u32 s1, s0  }
0xbc: {  	s0 =	sadd.s32 $0x8F2B, s0  }
0xbd: {  	[sflag:s0] =	ssyncadd.remote.s32 $0x1  }
0xbe: {  	_ =	sfence.sel $0xFFFF  }
0xbf: {  	[dreg:$0x0] =	wrdreg $0xFFFFFFFF;
	(pc) =	sbr.abs _section_cstart, $3  }
0xc0: {  	[dreg:$0x1] =	wrdreg $0xFFFFFFFF  }
0xc1: {  	_ =	task.clear_ibuf [dreg:s6], $0x2FFFF;
	_ =	strace $0x9FFFFFFF  }
0xc2: {  	(tm) =	ssettm $0x7FFFFFFF  }
0xc3: {  	_ =	shalt  }
tec
execute0_lowered:
.L_overlay_start_1:
0x0: {  	(tag) =	ssettag $0x1  }
0x1: {  	s5 =	rddreg [dreg:$0x0]  }
0x2: {  	s2 =	rddreg [dreg:$0x1];
	s1 =	stileid.u32  }
0x3: {  	s4 =	srdreg.scid;
	s3 =	simm.s32 $0x0;
	s28 =	simm.s32 $0x4  }
0x4: {  	s29 =	simm.s32 $0x0;
	s6 =	smul.u32 $0x14000, s1;
	s7 =	sand.u32 $0x1, s4  }
0x5: {  	[smem:$0x7FF] =	sst s3;
	s4 =	sadd.s32 $0x16800, s5;
	s17 =	smul.u32 $0x50000, s1  }
0x6: {  	s14 =	sadd.s32 $0x2800, s5;
	s21 =	sshll.u32 s1, $0x6;
	s16 =	smul.u32 $0x5000, s1  }
0x7: {  	s8 =	smul.u32 $0x140000, s7;
	_ =	strace $0x80000047;
	s10 =	sshll.u32 s7, $0x4  }
0x8: {  	s18 =	ssub.s32 $0x2, s7;
	s13 =	smul.u32 $0x50000, s7;
	s9 =	sshrl.u32 s6, $0x3  }
0x9: {  	s19 =	sor.u32 s1, s10;
	s20 =	sshrl.u32 s18, $0x1;
	s9 =	sadd.s32 s9, s5  }
0xa: {  	s6 =	sadd.s32 s6, s8;
	s8 =	sshrl.u32 s17, $0x2;
	s12 =	smul.u32 $0x5000, s19  }
0xb: {  	s10 =	ssub.s32 s18, s20;
	s13 =	sadd.s32 s16, s13;
	s16 =	simm.s32 $0x5  }
0xc: {  	s18 =	simm.s32 $0x80;
	s19 =	simm.s32 $0x14200;
	s20 =	simm.s32 $0x14100  }
0xd: {  	s6 =	sshrl.u32 s6, $0x3;
	s15 =	sadd.s32 s8, s2;
	s25 =	sor.u32 $0x400, s13  }
0xe: {  	s30 =	sor.u32 $0x300, s13;
	s11 =	sadd.s32 s6, s5;
	s5 =	sadd.s32 $0x3DA00, s9  }
0xf: {  	s22 =	sshrl.u32 s12, $0x3;
	s6 =	sor.u32 $0x1C05, s21;
	s17 =	sor.u32 $0x100, s12  }
0x10: {  	s12 =	sor.u32 $0x200, s12;
	s9 =	smax.u32 s10, $0x1;
	s26 =	sshrl.u32 s25, $0x3  }
0x11: {  	s31 =	sshrl.u32 s30, $0x3;
	s15 =	sshrl.u32 s15, $0x3;
	s21 =	simm.s32 $0x18200  }
0x12: {  	s25 =	simm.s32 $0x2;
	s7 =	sadd.s32 s14, s22;
	s8 =	sadd.s32 $0x65A00, s11  }
0x13: {  	s23 =	sshrl.u32 s17, $0x3;
	s24 =	sshrl.u32 s12, $0x3;
	s13 =	sadd.s32 s26, s14  }
0x14: {  	s17 =	simm.s32 $0x14000;
	s22 =	simm.s32 $0x1;
	s26 =	simm.s32 $0x14180  }
0x15: {  	s10 =	sadd.s32 s14, s23;
	s11 =	sadd.s32 s14, s24;
	s12 =	sadd.s32 $0x9E0, s7  }
0x16: {  	s14 =	sadd.s32 s31, s14;
	s23 =	simm.s32 $0x14080;
	s24 =	simm.s32 $0x3  }
.LBB2_1:
0x17: {  	[spmem:s15], [sflag:s6] =	dma.local [hbm:s5], $0x2800  }
0x18: {  	_ =	swait.ge [sflag:s16], $0x2800  }
0x19: {  	[sflag:s16] =	ssyncset.done $0x0  }
0x1a: {  	[sflag:s16] =	ssyncadd.s32 $0xFFFFD800  }
0x1b: {  	[bflag:$0x0] =	sbarrier.arrive $0xFFFF  }
0x1c: {  	[tilespmem:s17], [sflag:$0x5] =	stream.linear.gather [hbm4b:s7+s3], $0x100, $0x38;
	[tilespmem:$0x1C200] =	vst v63  }
0x1d: {  	_ =	swait.ge [sflag:s16], $0x100  }
0x1e: {  	[sflag:s16] =	ssyncset.done $0x0  }
0x1f: {  	[sflag:s16] =	ssyncadd.s32 $0xFFFFFF00  }
0x20: {  	[tilespmem:s19], [sflag:$0x1] =	stream.indirect.gather [hbm4b:s4+s18], $0x80, s17, s18, $0xb8;
	[tilespmem:$0x1C200] =	vst v63  }
0x21: {  	_ = 	snop  }
0x22: {  	[tilespmem:s20], [sflag:$0x5] =	stream.linear.gather [hbm4b:s10+s3], $0x100, $0x38;
	[tilespmem:$0x1C200] =	vst v63  }
0x23: {  	_ =	swait.ge [sflag:s16], $0x100  }
0x24: {  	[sflag:s16] =	ssyncset.done $0x0  }
0x25: {  	[sflag:s16] =	ssyncadd.s32 $0xFFFFFF00  }
0x26: {  	[tilespmem:s21], [sflag:$0x2] =	stream.indirect.gather [hbm4b:s4+s18], $0x80, s20, s18, $0xb8;
	[tilespmem:$0x1C200] =	vst v63  }
0x27: {  	_ =	swait.ge [sflag:s22], $0x4000  }
0x28: {  	[sflag:s22] =	ssyncset.done $0x0  }
0x29: {  	[sflag:s22] =	ssyncadd.s32 $0xFFFFC000  }
0x2a: {  	[spmem:s2] =	stream.indirect.scatter.add.f32 [tilespmem:s19], [sflag:$0x3], $0x80, s23, s18, $0xb8;
	[tilespmem:$0x1C200] =	vst v63  }
0x2b: {  	_ =	swait.ge [sflag:s24], $0x4000  }
0x2c: {  	[sflag:s24] =	ssyncset.done $0x0  }
0x2d: {  	[sflag:s24] =	ssyncadd.s32 $0xFFFFC000  }
0x2e: {  	[tilespmem:s17], [sflag:$0x5] =	stream.linear.gather [hbm4b:s11+s3], $0x100, $0x38;
	[tilespmem:$0x1C200] =	vst v63  }
0x2f: {  	_ =	swait.ge [sflag:s16], $0x100  }
0x30: {  	[sflag:s16] =	ssyncset.done $0x0  }
0x31: {  	[sflag:s16] =	ssyncadd.s32 $0xFFFFFF00  }
0x32: {  	[tilespmem:s19], [sflag:$0x1] =	stream.indirect.gather [hbm4b:s4+s18], $0x80, s17, s18, $0xb8;
	[tilespmem:$0x1C200] =	vst v63  }
0x33: {  	_ =	swait.ge [sflag:s25], $0x4000  }
0x34: {  	[sflag:s25] =	ssyncset.done $0x0  }
0x35: {  	[sflag:s25] =	ssyncadd.s32 $0xFFFFC000  }
0x36: {  	[spmem:s2] =	stream.indirect.scatter.add.f32 [tilespmem:s21], [sflag:$0x4], $0x80, s26, s18, $0xb8;
	[tilespmem:$0x1C200] =	vst v63  }
0x37: {  	_ =	swait.ge [sflag:s28], $0x4000  }
0x38: {  	[sflag:s28] =	ssyncset.done $0x0  }
0x39: {  	s30 =	sadd.s32 $0x0, s14;
	[sflag:s28] =	ssyncadd.s32 $0xFFFFC000  }
0x3a: {  	[tilespmem:s20], [sflag:$0x5] =	stream.linear.gather [hbm4b:s30+s3], $0x100, $0x38;
	[tilespmem:$0x1C200] =	vst v63  }
0x3b: {  	_ =	swait.ge [sflag:s16], $0x100  }
0x3c: {  	[sflag:s16] =	ssyncset.done $0x0  }
0x3d: {  	[sflag:s16] =	ssyncadd.s32 $0xFFFFFF00  }
0x3e: {  	[tilespmem:s21], [sflag:$0x2] =	stream.indirect.gather [hbm4b:s4+s18], $0x80, s20, s18, $0xb8;
	[tilespmem:$0x1C200] =	vst v63  }
0x3f: {  	_ =	swait.ge [sflag:s22], $0x4000  }
0x40: {  	[sflag:s22] =	ssyncset.done $0x0  }
0x41: {  	[sflag:s22] =	ssyncadd.s32 $0xFFFFC000  }
0x42: {  	[spmem:s2] =	stream.indirect.scatter.add.f32 [tilespmem:s19], [sflag:$0x3], $0x80, s23, s18, $0xb8;
	[tilespmem:$0x1C200] =	vst v63  }
0x43: {  	_ =	swait.ge [sflag:s24], $0x4000  }
0x44: {  	[sflag:s24] =	ssyncset.done $0x0  }
0x45: {  	s30 =	sadd.s32 $0x0, s13;
	[sflag:s24] =	ssyncadd.s32 $0xFFFFC000  }
0x46: {  	[tilespmem:s17], [sflag:$0x5] =	stream.linear.gather [hbm4b:s30+s3], $0x100, $0x38;
	[tilespmem:$0x1C200] =	vst v63  }
0x47: {  	_ =	swait.ge [sflag:s16], $0x100  }
0x48: {  	[sflag:s16] =	ssyncset.done $0x0  }
0x49: {  	[sflag:s16] =	ssyncadd.s32 $0xFFFFFF00  }
0x4a: {  	[tilespmem:s19], [sflag:$0x1] =	stream.indirect.gather [hbm4b:s4+s18], $0x80, s17, s18, $0xb8;
	[tilespmem:$0x1C200] =	vst v63  }
0x4b: {  	_ =	swait.ge [sflag:s25], $0x4000  }
0x4c: {  	[sflag:s25] =	ssyncset.done $0x0  }
0x4d: {  	s30 =	simm.s32 $0x40;
	[sflag:s25] =	ssyncadd.s32 $0xFFFFC000  }
.LBB2_2:
0x4e: {  	[spmem:s2] =	stream.indirect.scatter.add.f32 [tilespmem:s21], [sflag:$0x4], $0x80, s26, s18, $0xb8;
	[tilespmem:$0x1C200] =	vst v63  }
0x4f: {  	s31 =	smov.u32 s30  }
0x50: {  	p0 =	sne.s32 s30, $0x940;
	s30 =	sadd.s32 $0x40, s30;
	_ =	swait.ge [sflag:s28], $0x4000  }
0x51: {  	[sflag:s28] =	ssyncset.done $0x0  }
0x52: {  	s0 =	sadd.s32 s31, s14;
	[sflag:s28] =	ssyncadd.s32 $0xFFFFC000  }
0x53: {  	[tilespmem:s20], [sflag:$0x5] =	stream.linear.gather [hbm4b:s0+s3], $0x100, $0x38;
	[tilespmem:$0x1C200] =	vst v63  }
0x54: {  	_ =	swait.ge [sflag:s16], $0x100  }
0x55: {  	[sflag:s16] =	ssyncset.done $0x0  }
0x56: {  	[sflag:s16] =	ssyncadd.s32 $0xFFFFFF00  }
0x57: {  	[tilespmem:s21], [sflag:$0x2] =	stream.indirect.gather [hbm4b:s4+s18], $0x80, s20, s18, $0xb8;
	[tilespmem:$0x1C200] =	vst v63  }
0x58: {  	_ =	swait.ge [sflag:s22], $0x4000  }
0x59: {  	[sflag:s22] =	ssyncset.done $0x0  }
0x5a: {  	[sflag:s22] =	ssyncadd.s32 $0xFFFFC000  }
0x5b: {  	[spmem:s2] =	stream.indirect.scatter.add.f32 [tilespmem:s19], [sflag:$0x3], $0x80, s23, s18, $0xb8;
	[tilespmem:$0x1C200] =	vst v63  }
0x5c: {  	_ =	swait.ge [sflag:s24], $0x4000  }
0x5d: {  	[sflag:s24] =	ssyncset.done $0x0  }
0x5e: {  	s0 =	sadd.s32 s31, s13;
	[sflag:s24] =	ssyncadd.s32 $0xFFFFC000  }
0x5f: {  	[tilespmem:s17], [sflag:$0x5] =	stream.linear.gather [hbm4b:s0+s3], $0x100, $0x38;
	[tilespmem:$0x1C200] =	vst v63  }
0x60: {  	_ =	swait.ge [sflag:s16], $0x100  }
0x61: {  	[sflag:s16] =	ssyncset.done $0x0  }
.Ltmp0:
0x62: {  	[sflag:s16] =	ssyncadd.s32 $0xFFFFFF00;
	(pc) =	sbr.rel @p0 .LBB2_2-.Ltmp0, $4  }
0x63: {  	[tilespmem:s19], [sflag:$0x1] =	stream.indirect.gather [hbm4b:s4+s18], $0x80, s17, s18, $0xb8;
	[tilespmem:$0x1C200] =	vst v63  }
0x64: {  	_ =	swait.ge [sflag:s25], $0x4000  }
0x65: {  	[sflag:s25] =	ssyncset.done $0x0  }
0x66: {  	[sflag:s25] =	ssyncadd.s32 $0xFFFFC000  }
0x67: {  	[spmem:s2] =	stream.indirect.scatter.add.f32 [tilespmem:s21], [sflag:$0x4], $0x80, s26, s18, $0xb8;
	[tilespmem:$0x1C200] =	vst v63  }
0x68: {  	_ =	swait.ge [sflag:s28], $0x4000  }
0x69: {  	[sflag:s28] =	ssyncset.done $0x0  }
0x6a: {  	[sflag:s28] =	ssyncadd.s32 $0xFFFFC000  }
0x6b: {  	[tilespmem:s20], [sflag:$0x5] =	stream.linear.gather [hbm4b:s12+s3], $0x100, $0x38;
	[tilespmem:$0x1C200] =	vst v63  }
0x6c: {  	_ =	swait.ge [sflag:s16], $0x100  }
0x6d: {  	[sflag:s16] =	ssyncset.done $0x0  }
0x6e: {  	[sflag:s16] =	ssyncadd.s32 $0xFFFFFF00  }
0x6f: {  	[tilespmem:s21], [sflag:$0x2] =	stream.indirect.gather [hbm4b:s4+s18], $0x80, s20, s18, $0xb8;
	[tilespmem:$0x1C200] =	vst v63  }
0x70: {  	_ =	swait.ge [sflag:s22], $0x4000  }
0x71: {  	[sflag:s22] =	ssyncset.done $0x0  }
0x72: {  	[sflag:s22] =	ssyncadd.s32 $0xFFFFC000  }
0x73: {  	[spmem:s2] =	stream.indirect.scatter.add.f32 [tilespmem:s19], [sflag:$0x3], $0x80, s23, s18, $0xb8;
	[tilespmem:$0x1C200] =	vst v63  }
0x74: {  	_ =	swait.ge [sflag:s24], $0x4000  }
0x75: {  	[sflag:s24] =	ssyncset.done $0x0  }
0x76: {  	[sflag:s24] =	ssyncadd.s32 $0xFFFFC000  }
0x77: {  	_ =	swait.ge [sflag:s25], $0x4000  }
0x78: {  	[sflag:s25] =	ssyncset.done $0x0  }
0x79: {  	[sflag:s25] =	ssyncadd.s32 $0xFFFFC000  }
0x7a: {  	[spmem:s2] =	stream.indirect.scatter.add.f32 [tilespmem:s21], [sflag:$0x4], $0x80, s26, s18, $0xb8;
	[tilespmem:$0x1C200] =	vst v63  }
0x7b: {  	_ =	swait.ge [sflag:s28], $0x4000  }
0x7c: {  	s29 =	sadd.s32 $0x1, s29;
	[sflag:s28] =	ssyncset.done $0x0  }
0x7d: {  	p0 =	sne.s32 s29, s9;
	[sflag:s28] =	ssyncadd.s32 $0xFFFFC000  }
.Ltmp1:
0x7e: {  	[bflag:$0x0] =	sbarrier.arrive $0xFFFF;
	(pc) =	sbr.rel @p0 .LBB2_1-.Ltmp1, $4  }
0x7f: {  	[hbm:s8], [sflag:s6] =	dma.local [spmem:s15], $0x2800  }
0x80: {  	_ =	swait.ge [sflag:s16], $0x2800  }
0x81: {  	[sflag:s16] =	ssyncset.done $0x0  }
0x82: {  	[sflag:s16] =	ssyncadd.s32 $0xFFFFD800  }
0x83: {  	_ =	sfence.sel $0x180000  }
0x84: {  	[bflag:$0x0] =	sbarrier.arrive $0xFFFF  }
0x85: {  	_ =	strace $0x90000047  }
0x86: {  	[bflag:$0x2] =	sbarrier.arrive $0xFFFF  }
0x87: {  	p0 =	sne.s32 s1, $0x0;
	s0 =	rddreg [dreg:$0x2]  }
0x88: {  	s0 =	sadd.s32 @!p0 $0x100000, s0  }
0x89: {  	[sflag:s0] =	ssyncadd.tile.s32 @!p0 $0x1;
	_ =	shalt  }
.Lfunc_end2:
_tile_overlayer_lowered:
.L_overlay_start_2:
0x8a: {  	(tag) =	ssettag $0x2  }
0x8b: {  	s0 =	rddreg [dreg:$0x0];
	s2 =	stileid.u32  }
0x8c: {  	s1 =	rddreg [dreg:$0x1];
	p0 =	sne.s32 s2, $0x0  }
0x8d: {  	s3 =	rddreg [dreg:$0x2];
	[bflag:$0x3] =	sbarrier.arrive $0xFFFF;
	s2 =	simm.s32 @!p0 $0x1C05  }
0x8e: {  	[timem:s3], [sflag:s2] =	dma.local @!p0 [hbm:s0], s1  }
0x8f: {  	s0 =	simm.s32 @!p0 $0x5  }
0x90: {  	_ =	swait.ge @!p0 [sflag:s0], s1  }
0x91: {  	s1 =	ssub.s32 @!p0 $0x0, s1;
	[sflag:s0] =	ssyncset.done @!p0 $0x0  }
0x92: {  	[sflag:s0] =	ssyncadd.s32 @!p0 s1  }
0x93: {  	[bflag:$0x3] =	sbarrier.arrive $0xFFFF  }
0x94: {  	_ =	shalt  }

</sc_bundles>
